<compile_context>
chip_gen: v7x
topology: tpu7x:2x2x1
jax: 0.10.2.dev20260603
libtpu: 0.0.44.dev20260713+nightly
codegen_flags: <defaults>
</compile_context>

<pallas_src>
import jax
import jax.numpy as jnp
from jax import lax
from jax.experimental import pallas as pl
from jax.experimental.pallas import tpu as pltpu
from jax.experimental.pallas import tpu_sc as plsc

NC = 2
NS = 16
NW = NC * NS

VOCAB = 30522
HID = 768
S = 2048
B = 4
NTOK = B * S
TPW = NTOK // NW
GC = 64
NG = TPW // GC

BT = 1024
NSEQ = S // BT
EPS = 1e-12


def _gather_sc_body(ids0_h, ids1_h, w1_h, w2_h, out0_h, out1_h,
                    idxall, buf0, buf1, sem0, sem1):
    wid = lax.axis_index("s") * NC + lax.axis_index("c")
    base = wid * TPW
    pltpu.sync_copy(ids0_h.at[pl.ds(base, TPW)], idxall.at[0])
    pltpu.sync_copy(ids1_h.at[pl.ds(base, TPW)], idxall.at[1])
    bufs = (buf0, buf1)
    sems = (sem0, sem1)
    w_h = (w1_h, w2_h)
    out_h = (out0_h, out1_h)
    seq = [(s, k) for s in (0, 1) for k in range(NG)]

    def gather(i):
        s, k = seq[i]
        return pltpu.async_copy(w_h[s].at[idxall.at[s, pl.ds(k * GC, GC)]],
                                bufs[i % 2], sems[i % 2])

    cps = [gather(0)]
    for i, (s, k) in enumerate(seq):
        if i + 1 < len(seq):
            cps.append(gather(i + 1))
        cps[i].wait()
        pltpu.sync_copy(bufs[i % 2], out_h[s].at[pl.ds(base + k * GC, GC)])


def _gather_rows(ids0, ids1, w1, w2):
    mesh = plsc.VectorSubcoreMesh(core_axis_name="c", subcore_axis_name="s",
                                  num_cores=NC, num_subcores=NS)
    fn = pl.kernel(
        _gather_sc_body,
        out_type=[jax.ShapeDtypeStruct((NTOK, HID), jnp.float32),
                  jax.ShapeDtypeStruct((NTOK, HID), jnp.float32)],
        mesh=mesh,
        scratch_types=[
            pltpu.VMEM((2, TPW), jnp.int32),
            pltpu.VMEM((GC, HID), jnp.float32),
            pltpu.VMEM((GC, HID), jnp.float32),
            pltpu.SemaphoreType.DMA,
            pltpu.SemaphoreType.DMA,
        ],
    )
    return fn(ids0, ids1, w1, w2)


def _ln_one(tt_ref, t_ref, p, rows_ref, g_ref, b_ref, o_ref):
    ttf = tt_ref[0, 0, :].astype(jnp.float32).reshape(BT, 1)
    t0 = t_ref[0:1, :]
    td = t_ref[1:2, :] - t0
    x = rows_ref[...] + p + (t0 + ttf * td)
    mu = jnp.mean(x, axis=-1, keepdims=True)
    xc = x - mu
    var = jnp.mean(xc * xc, axis=-1, keepdims=True)
    xn = xc * lax.rsqrt(var + jnp.float32(EPS))
    o_ref[...] = xn * g_ref[...] + b_ref[...]


def _ln_tc_body(tt0_ref, tt1_ref, t_ref, p_ref, r1_ref, r2_ref,
                g1_ref, b1_ref, g2_ref, b2_ref, o1_ref, o2_ref):
    p = p_ref[...]
    _ln_one(tt0_ref, t_ref, p, r1_ref, g1_ref, b1_ref, o1_ref)
    _ln_one(tt1_ref, t_ref, p, r2_ref, g2_ref, b2_ref, o2_ref)


def _ln_tc(tt0, tt1, T, P, r1, r2, g1, b1, g2, b2):
    tok_spec = pl.BlockSpec((BT, HID), lambda j, bb: (bb * NSEQ + j, 0))
    tt_spec = pl.BlockSpec((1, 1, BT), lambda j, bb: (bb * NSEQ + j, 0, 0))
    row_spec = pl.BlockSpec((1, HID), lambda j, bb: (0, 0))
    return pl.pallas_call(
        _ln_tc_body,
        grid=(NSEQ, B),
        in_specs=[
            tt_spec,
            tt_spec,
            pl.BlockSpec((2, HID), lambda j, bb: (0, 0)),
            pl.BlockSpec((BT, HID), lambda j, bb: (j, 0)),
            tok_spec,
            tok_spec,
            row_spec,
            row_spec,
            row_spec,
            row_spec,
        ],
        out_specs=[tok_spec, tok_spec],
        out_shape=[jax.ShapeDtypeStruct((NTOK, HID), jnp.float32),
                   jax.ShapeDtypeStruct((NTOK, HID), jnp.float32)],
    )(tt0, tt1, T, P, r1, r2, g1, b1, g2, b2)


@jax.jit
def _run(ids0, ids1, tt0, tt1, W1, W2, P, T, g1, b1, g2, b2):
    tt0r = tt0.reshape(NTOK // BT, 1, BT)
    tt1r = tt1.reshape(NTOK // BT, 1, BT)
    g1r = g1.reshape(1, HID)
    b1r = b1.reshape(1, HID)
    g2r = g2.reshape(1, HID)
    b2r = b2.reshape(1, HID)
    r1, r2 = _gather_rows(ids0, ids1, W1, W2)
    e1, e2 = _ln_tc(tt0r, tt1r, T, P, r1, r2, g1r, b1r, g2r, b2r)
    return e1, e2


def kernel(input_ids, token_type_ids, W1, W2, P, T, g1, b1, g2, b2):
    ids = input_ids.astype(jnp.int32).reshape(2, NTOK)
    tts = token_type_ids.astype(jnp.int32).reshape(2, NTOK)
    e1, e2 = _run(ids[0], ids[1], tts[0], tts[1],
                  W1, W2, P, T, g1, b1, g2, b2)
    return (e1.reshape(B, S, HID), e2.reshape(B, S, HID))

# --- scband reference (transcript-rebuilt; emitter-appended) ---
"""Pipeline reference for scband-bert-embeddings-79448305042102 (READ-ONLY COPY).

The authoritative reference and input builder live on the scoring server;
editing this copy changes nothing except your own understanding.
"""

import jax, jax.numpy as jnp
import numpy as np

VOCAB = 30522
HID = 768
MAXPOS = 2048
TYPES = 2
B = 4
S = 2048


def setup_inputs(seed: int = 0) -> dict:
    key = jax.random.key(seed)
    ks = jax.random.split(key, 8)
    input_ids = jax.random.randint(ks[0], (2, B, S), 0, VOCAB, dtype=jnp.int64 if jax.config.jax_enable_x64 else jnp.int32)
    token_type_ids = jax.random.randint(ks[1], (2, B, S), 0, TYPES, dtype=jnp.int64 if jax.config.jax_enable_x64 else jnp.int32)
    W1 = jax.random.normal(ks[2], (VOCAB, HID), jnp.float32) * 0.02
    W1 = W1.at[0].set(0.0)  # padding_idx=0
    W2 = jax.random.normal(ks[3], (VOCAB, HID), jnp.float32) * 0.02
    W2 = W2.at[0].set(0.0)  # padding_idx=0
    P = jax.random.normal(ks[4], (MAXPOS, HID), jnp.float32) * 0.02
    T = jax.random.normal(ks[5], (TYPES, HID), jnp.float32) * 0.02
    g1 = jnp.ones((HID,), jnp.float32)
    b1 = jnp.zeros((HID,), jnp.float32)
    g2 = jnp.ones((HID,), jnp.float32)
    b2 = jnp.zeros((HID,), jnp.float32)
    return {"input_ids": input_ids, "token_type_ids": token_type_ids,
            "W1": W1, "W2": W2, "P": P, "T": T,
            "g1": g1, "b1": b1, "g2": g2, "b2": b2}


def _layer_norm(x, g, b, eps=1e-12):
    mu = jnp.mean(x, axis=-1, keepdims=True)
    var = jnp.mean((x - mu) ** 2, axis=-1, keepdims=True)
    return (x - mu) / jnp.sqrt(var + eps) * g + b


def reference(input_ids, token_type_ids, W1, W2, P, T, g1, b1, g2, b2):
    seq_length = input_ids.shape[2]
    position_ids = jnp.broadcast_to(jnp.arange(seq_length)[None, :], input_ids[0].shape)
    # weight_bits=32 -> QuantizeEmbedding degenerates to a plain embedding lookup
    words1 = jnp.take(W1, input_ids[0], axis=0)
    words2 = jnp.take(W2, input_ids[1], axis=0)
    pos = jnp.take(P, position_ids, axis=0)
    tt0 = jnp.take(T, token_type_ids[0], axis=0)
    tt1 = jnp.take(T, token_type_ids[1], axis=0)
    e1 = words1 + pos + tt0
    e2 = words2 + pos + tt1
    e1 = _layer_norm(e1, g1, b1)
    e2 = _layer_norm(e2, g2, b2)
    # dropout is identity in eval mode
    return (e1, e2)

if __name__ == "__main__":
    import jax
    _d = setup_inputs()
    print(jax.jit(kernel)(*tuple(_d.values())))

</pallas_src>

<mosaic_0001>
#map = affine_map<(d0, d1) -> (0)>
#map1 = affine_map<(d0, d1) -> (0, 0)>
module attributes {stable_mosaic.version = 14 : i64} {
  func.func @_gather_sc_body(%arg0: i32, %arg1: i32, %arg2: memref<8192xi32, #tpu.memory_space<hbm>>, %arg3: memref<8192xi32, #tpu.memory_space<hbm>>, %arg4: memref<30522x768xf32, #tpu.memory_space<hbm>>, %arg5: memref<30522x768xf32, #tpu.memory_space<hbm>>, %arg6: memref<8192x768xf32, #tpu.memory_space<hbm>>, %arg7: memref<8192x768xf32, #tpu.memory_space<hbm>>, %arg8: memref<2x256xi32, #tpu.memory_space<vmem>>, %arg9: memref<64x768xf32, #tpu.memory_space<vmem>>, %arg10: memref<64x768xf32, #tpu.memory_space<vmem>>, %arg11: memref<!tpu.dma_semaphore, #tpu.memory_space<semaphore_mem>>, %arg12: memref<!tpu.dma_semaphore, #tpu.memory_space<semaphore_mem>>) attributes {dimension_semantics = [#tpu.dimension_semantics<core_parallel>, #tpu.dimension_semantics<subcore_parallel>], iteration_bounds = array<i64: 2, 16>, scalar_prefetch = 0 : i64, scratch_operands = 5 : i64, tpu.core_type = #tpu.core_type<sc_vector_subcore>, window_params = [{transform_indices = #map}, {transform_indices = #map}, {transform_indices = #map1}, {transform_indices = #map1}, {transform_indices = #map1}, {transform_indices = #map1}]} {
    %mul3A = arith.constant 2 : i32
    %mul3A_0 = arith.muli %arg1, %mul3A : i32
    %add3A = arith.addi %mul3A_0, %arg0 : i32
    %mul3A_1 = arith.constant 256 : i32
    %mul3A_2 = arith.muli %add3A, %mul3A_1 : i32
    %run_scoped3A = arith.constant 0 : i32
    "tpu.region"() ({
      %run_scoped3A_130 = tpu.sem_alloc : memref<!tpu.dma_semaphore, #tpu.memory_space<semaphore_mem>>
      %dma_start3A_131 = arith.constant 0 : i32
      %dma_start3A_132 = tpu.memref_slice %arg8[%run_scoped3A, %dma_start3A_131] : memref<2x256xi32, #tpu.memory_space<vmem>> -> memref<1x256xi32, #tpu.memory_space<vmem>>
      %dma_start3A_133 = tpu.memref_squeeze %dma_start3A_132 : memref<1x256xi32, #tpu.memory_space<vmem>> -> memref<256xi32, #tpu.memory_space<vmem>>
      %dma_start3A_134 = tpu.memref_slice %arg2[%mul3A_2] : memref<8192xi32, #tpu.memory_space<hbm>> -> memref<256xi32, #tpu.memory_space<hbm>>
      %dma_start3A_135 = arith.constant 0 : i32
      %dma_start3A_136 = tpu.memref_slice %arg8[%run_scoped3A, %dma_start3A_135] : memref<2x256xi32, #tpu.memory_space<vmem>> -> memref<1x256xi32, #tpu.memory_space<vmem>>
      %dma_start3A_137 = tpu.memref_squeeze %dma_start3A_136 : memref<1x256xi32, #tpu.memory_space<vmem>> -> memref<256xi32, #tpu.memory_space<vmem>>
      %dma_start3A_138 = tpu.memref_slice %arg2[%mul3A_2] : memref<8192xi32, #tpu.memory_space<hbm>> -> memref<256xi32, #tpu.memory_space<hbm>>
      tpu.enqueue_dma source(%dma_start3A_138 : memref<256xi32, #tpu.memory_space<hbm>>) target(%dma_start3A_137 : memref<256xi32, #tpu.memory_space<vmem>>) target_semaphore(%run_scoped3A_130 : memref<!tpu.dma_semaphore, #tpu.memory_space<semaphore_mem>>)
      %dma_wait3A_139 = arith.constant 0 : i32
      %dma_wait3A_140 = tpu.memref_slice %arg8[%run_scoped3A, %dma_wait3A_139] : memref<2x256xi32, #tpu.memory_space<vmem>> -> memref<1x256xi32, #tpu.memory_space<vmem>>
      %dma_wait3A_141 = tpu.memref_squeeze %dma_wait3A_140 : memref<1x256xi32, #tpu.memory_space<vmem>> -> memref<256xi32, #tpu.memory_space<vmem>>
      %dma_wait3A_142 = tpu.memref_slice %arg2[%mul3A_2] : memref<8192xi32, #tpu.memory_space<hbm>> -> memref<256xi32, #tpu.memory_space<hbm>>
      %dma_wait3A_143 = arith.constant 0 : i32
      %dma_wait3A_144 = tpu.memref_slice %arg8[%run_scoped3A, %dma_wait3A_143] : memref<2x256xi32, #tpu.memory_space<vmem>> -> memref<1x256xi32, #tpu.memory_space<vmem>>
      %dma_wait3A_145 = tpu.memref_squeeze %dma_wait3A_144 : memref<1x256xi32, #tpu.memory_space<vmem>> -> memref<256xi32, #tpu.memory_space<vmem>>
      %dma_wait3A_146 = tpu.memref_slice %arg2[%mul3A_2] : memref<8192xi32, #tpu.memory_space<hbm>> -> memref<256xi32, #tpu.memory_space<hbm>>
      tpu.wait_dma2 semaphore(%run_scoped3A_130 : memref<!tpu.dma_semaphore, #tpu.memory_space<semaphore_mem>>) src(%dma_wait3A_146 : memref<256xi32, #tpu.memory_space<hbm>>) dst(%dma_wait3A_145 : memref<256xi32, #tpu.memory_space<vmem>>)
      tpu.yield
    }) : () -> ()
    %run_scoped3A_3 = arith.constant 1 : i32
    "tpu.region"() ({
      %run_scoped3A_130 = tpu.sem_alloc : memref<!tpu.dma_semaphore, #tpu.memory_space<semaphore_mem>>
      %dma_start3A_131 = arith.constant 0 : i32
      %dma_start3A_132 = tpu.memref_slice %arg8[%run_scoped3A_3, %dma_start3A_131] : memref<2x256xi32, #tpu.memory_space<vmem>> -> memref<1x256xi32, #tpu.memory_space<vmem>>
      %dma_start3A_133 = tpu.memref_squeeze %dma_start3A_132 : memref<1x256xi32, #tpu.memory_space<vmem>> -> memref<256xi32, #tpu.memory_space<vmem>>
      %dma_start3A_134 = tpu.memref_slice %arg3[%mul3A_2] : memref<8192xi32, #tpu.memory_space<hbm>> -> memref<256xi32, #tpu.memory_space<hbm>>
      %dma_start3A_135 = arith.constant 0 : i32
      %dma_start3A_136 = tpu.memref_slice %arg8[%run_scoped3A_3, %dma_start3A_135] : memref<2x256xi32, #tpu.memory_space<vmem>> -> memref<1x256xi32, #tpu.memory_space<vmem>>
      %dma_start3A_137 = tpu.memref_squeeze %dma_start3A_136 : memref<1x256xi32, #tpu.memory_space<vmem>> -> memref<256xi32, #tpu.memory_space<vmem>>
      %dma_start3A_138 = tpu.memref_slice %arg3[%mul3A_2] : memref<8192xi32, #tpu.memory_space<hbm>> -> memref<256xi32, #tpu.memory_space<hbm>>
      tpu.enqueue_dma source(%dma_start3A_138 : memref<256xi32, #tpu.memory_space<hbm>>) target(%dma_start3A_137 : memref<256xi32, #tpu.memory_space<vmem>>) target_semaphore(%run_scoped3A_130 : memref<!tpu.dma_semaphore, #tpu.memory_space<semaphore_mem>>)
      %dma_wait3A_139 = arith.constant 0 : i32
      %dma_wait3A_140 = tpu.memref_slice %arg8[%run_scoped3A_3, %dma_wait3A_139] : memref<2x256xi32, #tpu.memory_space<vmem>> -> memref<1x256xi32, #tpu.memory_space<vmem>>
      %dma_wait3A_141 = tpu.memref_squeeze %dma_wait3A_140 : memref<1x256xi32, #tpu.memory_space<vmem>> -> memref<256xi32, #tpu.memory_space<vmem>>
      %dma_wait3A_142 = tpu.memref_slice %arg3[%mul3A_2] : memref<8192xi32, #tpu.memory_space<hbm>> -> memref<256xi32, #tpu.memory_space<hbm>>
      %dma_wait3A_143 = arith.constant 0 : i32
      %dma_wait3A_144 = tpu.memref_slice %arg8[%run_scoped3A_3, %dma_wait3A_143] : memref<2x256xi32, #tpu.memory_space<vmem>> -> memref<1x256xi32, #tpu.memory_space<vmem>>
      %dma_wait3A_145 = tpu.memref_squeeze %dma_wait3A_144 : memref<1x256xi32, #tpu.memory_space<vmem>> -> memref<256xi32, #tpu.memory_space<vmem>>
      %dma_wait3A_146 = tpu.memref_slice %arg3[%mul3A_2] : memref<8192xi32, #tpu.memory_space<hbm>> -> memref<256xi32, #tpu.memory_space<hbm>>
      tpu.wait_dma2 semaphore(%run_scoped3A_130 : memref<!tpu.dma_semaphore, #tpu.memory_space<semaphore_mem>>) src(%dma_wait3A_146 : memref<256xi32, #tpu.memory_space<hbm>>) dst(%dma_wait3A_145 : memref<256xi32, #tpu.memory_space<vmem>>)
      tpu.yield
    }) : () -> ()
    %dma_start3A = arith.constant 0 : i32
    %dma_start3A_4 = arith.constant 0 : i32
    %dma_start3A_5 = tpu.memref_slice %arg8[%dma_start3A, %dma_start3A_4] : memref<2x256xi32, #tpu.memory_space<vmem>> -> memref<1x64xi32, #tpu.memory_space<vmem>>
    %dma_start3A_6 = tpu.memref_squeeze %dma_start3A_5 : memref<1x64xi32, #tpu.memory_space<vmem>> -> memref<64xi32, #tpu.memory_space<vmem>>
    %dma_start3A_7 = arith.constant 0 : i32
    %dma_start3A_8 = arith.constant 0 : i32
    %dma_start3A_9 = tpu.memref_slice %arg4[%dma_start3A_7, %dma_start3A_8] : memref<30522x768xf32, #tpu.memory_space<hbm>> -> memref<30522x768xf32, #tpu.memory_space<hbm>>
    tpu.enqueue_indirect_dma source(%dma_start3A_9 : memref<30522x768xf32, #tpu.memory_space<hbm>>) target(%arg9 : memref<64x768xf32, #tpu.memory_space<vmem>>) offsets(%dma_start3A_6 : memref<64xi32, #tpu.memory_space<vmem>>) semaphore(%arg11 : memref<!tpu.dma_semaphore, #tpu.memory_space<semaphore_mem>>)
    %dma_start3A_10 = arith.constant 0 : i32
    %dma_start3A_11 = arith.constant 64 : i32
    %dma_start3A_12 = tpu.memref_slice %arg8[%dma_start3A_10, %dma_start3A_11] : memref<2x256xi32, #tpu.memory_space<vmem>> -> memref<1x64xi32, #tpu.memory_space<vmem>>
    %dma_start3A_13 = tpu.memref_squeeze %dma_start3A_12 : memref<1x64xi32, #tpu.memory_space<vmem>> -> memref<64xi32, #tpu.memory_space<vmem>>
    %dma_start3A_14 = arith.constant 0 : i32
    %dma_start3A_15 = arith.constant 0 : i32
    %dma_start3A_16 = tpu.memref_slice %arg4[%dma_start3A_14, %dma_start3A_15] : memref<30522x768xf32, #tpu.memory_space<hbm>> -> memref<30522x768xf32, #tpu.memory_space<hbm>>
    tpu.enqueue_indirect_dma source(%dma_start3A_16 : memref<30522x768xf32, #tpu.memory_space<hbm>>) target(%arg10 : memref<64x768xf32, #tpu.memory_space<vmem>>) offsets(%dma_start3A_13 : memref<64xi32, #tpu.memory_space<vmem>>) semaphore(%arg12 : memref<!tpu.dma_semaphore, #tpu.memory_space<semaphore_mem>>)
    %dma_wait3A = arith.constant 0 : i32
    %dma_wait3A_17 = arith.constant 0 : i32
    %dma_wait3A_18 = tpu.memref_slice %arg8[%dma_wait3A, %dma_wait3A_17] : memref<2x256xi32, #tpu.memory_space<vmem>> -> memref<1x64xi32, #tpu.memory_space<vmem>>
    %dma_wait3A_19 = tpu.memref_squeeze %dma_wait3A_18 : memref<1x64xi32, #tpu.memory_space<vmem>> -> memref<64xi32, #tpu.memory_space<vmem>>
    %dma_wait3A_20 = arith.constant 0 : i32
    %dma_wait3A_21 = arith.constant 0 : i32
    %dma_wait3A_22 = tpu.memref_slice %arg4[%dma_wait3A_20, %dma_wait3A_21] : memref<30522x768xf32, #tpu.memory_space<hbm>> -> memref<30522x768xf32, #tpu.memory_space<hbm>>
    tpu.wait_indirect_dma semaphore(%arg11 : memref<!tpu.dma_semaphore, #tpu.memory_space<semaphore_mem>>) src(%dma_wait3A_22 : memref<30522x768xf32, #tpu.memory_space<hbm>>) dst(%arg9 : memref<64x768xf32, #tpu.memory_space<vmem>>)
    %add3A_23 = arith.constant 0 : i32
    %add3A_24 = arith.addi %mul3A_2, %add3A_23 : i32
    "tpu.region"() ({
      %run_scoped3A_130 = tpu.sem_alloc : memref<!tpu.dma_semaphore, #tpu.memory_space<semaphore_mem>>
      %dma_start3A_131 = arith.constant 0 : i32
      %dma_start3A_132 = tpu.memref_slice %arg6[%add3A_24, %dma_start3A_131] : memref<8192x768xf32, #tpu.memory_space<hbm>> -> memref<64x768xf32, #tpu.memory_space<hbm>>
      %dma_start3A_133 = arith.constant 0 : i32
      %dma_start3A_134 = tpu.memref_slice %arg6[%add3A_24, %dma_start3A_133] : memref<8192x768xf32, #tpu.memory_space<hbm>> -> memref<64x768xf32, #tpu.memory_space<hbm>>
      tpu.enqueue_dma source(%arg9 : memref<64x768xf32, #tpu.memory_space<vmem>>) target(%dma_start3A_134 : memref<64x768xf32, #tpu.memory_space<hbm>>) target_semaphore(%run_scoped3A_130 : memref<!tpu.dma_semaphore, #tpu.memory_space<semaphore_mem>>)
      %dma_wait3A_135 = arith.constant 0 : i32
      %dma_wait3A_136 = tpu.memref_slice %arg6[%add3A_24, %dma_wait3A_135] : memref<8192x768xf32, #tpu.memory_space<hbm>> -> memref<64x768xf32, #tpu.memory_space<hbm>>
      %dma_wait3A_137 = arith.constant 0 : i32
      %dma_wait3A_138 = tpu.memref_slice %arg6[%add3A_24, %dma_wait3A_137] : memref<8192x768xf32, #tpu.memory_space<hbm>> -> memref<64x768xf32, #tpu.memory_space<hbm>>
      tpu.wait_dma2 semaphore(%run_scoped3A_130 : memref<!tpu.dma_semaphore, #tpu.memory_space<semaphore_mem>>) src(%arg9 : memref<64x768xf32, #tpu.memory_space<vmem>>) dst(%dma_wait3A_138 : memref<64x768xf32, #tpu.memory_space<hbm>>)
      tpu.yield
    }) : () -> ()
    %dma_start3A_25 = arith.constant 0 : i32
    %dma_start3A_26 = arith.constant 128 : i32
    %dma_start3A_27 = tpu.memref_slice %arg8[%dma_start3A_25, %dma_start3A_26] : memref<2x256xi32, #tpu.memory_space<vmem>> -> memref<1x64xi32, #tpu.memory_space<vmem>>
    %dma_start3A_28 = tpu.memref_squeeze %dma_start3A_27 : memref<1x64xi32, #tpu.memory_space<vmem>> -> memref<64xi32, #tpu.memory_space<vmem>>
    %dma_start3A_29 = arith.constant 0 : i32
    %dma_start3A_30 = arith.constant 0 : i32
    %dma_start3A_31 = tpu.memref_slice %arg4[%dma_start3A_29, %dma_start3A_30] : memref<30522x768xf32, #tpu.memory_space<hbm>> -> memref<30522x768xf32, #tpu.memory_space<hbm>>
    tpu.enqueue_indirect_dma source(%dma_start3A_31 : memref<30522x768xf32, #tpu.memory_space<hbm>>) target(%arg9 : memref<64x768xf32, #tpu.memory_space<vmem>>) offsets(%dma_start3A_28 : memref<64xi32, #tpu.memory_space<vmem>>) semaphore(%arg11 : memref<!tpu.dma_semaphore, #tpu.memory_space<semaphore_mem>>)
    %dma_wait3A_32 = arith.constant 0 : i32
    %dma_wait3A_33 = arith.constant 64 : i32
    %dma_wait3A_34 = tpu.memref_slice %arg8[%dma_wait3A_32, %dma_wait3A_33] : memref<2x256xi32, #tpu.memory_space<vmem>> -> memref<1x64xi32, #tpu.memory_space<vmem>>
    %dma_wait3A_35 = tpu.memref_squeeze %dma_wait3A_34 : memref<1x64xi32, #tpu.memory_space<vmem>> -> memref<64xi32, #tpu.memory_space<vmem>>
    %dma_wait3A_36 = arith.constant 0 : i32
    %dma_wait3A_37 = arith.constant 0 : i32
    %dma_wait3A_38 = tpu.memref_slice %arg4[%dma_wait3A_36, %dma_wait3A_37] : memref<30522x768xf32, #tpu.memory_space<hbm>> -> memref<30522x768xf32, #tpu.memory_space<hbm>>
    tpu.wait_indirect_dma semaphore(%arg12 : memref<!tpu.dma_semaphore, #tpu.memory_space<semaphore_mem>>) src(%dma_wait3A_38 : memref<30522x768xf32, #tpu.memory_space<hbm>>) dst(%arg10 : memref<64x768xf32, #tpu.memory_space<vmem>>)
    %add3A_39 = arith.constant 64 : i32
    %add3A_40 = arith.addi %mul3A_2, %add3A_39 : i32
    "tpu.region"() ({
      %run_scoped3A_130 = tpu.sem_alloc : memref<!tpu.dma_semaphore, #tpu.memory_space<semaphore_mem>>
      %dma_start3A_131 = arith.constant 0 : i32
      %dma_start3A_132 = tpu.memref_slice %arg6[%add3A_40, %dma_start3A_131] : memref<8192x768xf32, #tpu.memory_space<hbm>> -> memref<64x768xf32, #tpu.memory_space<hbm>>
      %dma_start3A_133 = arith.constant 0 : i32
      %dma_start3A_134 = tpu.memref_slice %arg6[%add3A_40, %dma_start3A_133] : memref<8192x768xf32, #tpu.memory_space<hbm>> -> memref<64x768xf32, #tpu.memory_space<hbm>>
      tpu.enqueue_dma source(%arg10 : memref<64x768xf32, #tpu.memory_space<vmem>>) target(%dma_start3A_134 : memref<64x768xf32, #tpu.memory_space<hbm>>) target_semaphore(%run_scoped3A_130 : memref<!tpu.dma_semaphore, #tpu.memory_space<semaphore_mem>>)
      %dma_wait3A_135 = arith.constant 0 : i32
      %dma_wait3A_136 = tpu.memref_slice %arg6[%add3A_40, %dma_wait3A_135] : memref<8192x768xf32, #tpu.memory_space<hbm>> -> memref<64x768xf32, #tpu.memory_space<hbm>>
      %dma_wait3A_137 = arith.constant 0 : i32
      %dma_wait3A_138 = tpu.memref_slice %arg6[%add3A_40, %dma_wait3A_137] : memref<8192x768xf32, #tpu.memory_space<hbm>> -> memref<64x768xf32, #tpu.memory_space<hbm>>
      tpu.wait_dma2 semaphore(%run_scoped3A_130 : memref<!tpu.dma_semaphore, #tpu.memory_space<semaphore_mem>>) src(%arg10 : memref<64x768xf32, #tpu.memory_space<vmem>>) dst(%dma_wait3A_138 : memref<64x768xf32, #tpu.memory_space<hbm>>)
      tpu.yield
    }) : () -> ()
    %dma_start3A_41 = arith.constant 0 : i32
    %dma_start3A_42 = arith.constant 192 : i32
    %dma_start3A_43 = tpu.memref_slice %arg8[%dma_start3A_41, %dma_start3A_42] : memref<2x256xi32, #tpu.memory_space<vmem>> -> memref<1x64xi32, #tpu.memory_space<vmem>>
    %dma_start3A_44 = tpu.memref_squeeze %dma_start3A_43 : memref<1x64xi32, #tpu.memory_space<vmem>> -> memref<64xi32, #tpu.memory_space<vmem>>
    %dma_start3A_45 = arith.constant 0 : i32
    %dma_start3A_46 = arith.constant 0 : i32
    %dma_start3A_47 = tpu.memref_slice %arg4[%dma_start3A_45, %dma_start3A_46] : memref<30522x768xf32, #tpu.memory_space<hbm>> -> memref<30522x768xf32, #tpu.memory_space<hbm>>
    tpu.enqueue_indirect_dma source(%dma_start3A_47 : memref<30522x768xf32, #tpu.memory_space<hbm>>) target(%arg10 : memref<64x768xf32, #tpu.memory_space<vmem>>) offsets(%dma_start3A_44 : memref<64xi32, #tpu.memory_space<vmem>>) semaphore(%arg12 : memref<!tpu.dma_semaphore, #tpu.memory_space<semaphore_mem>>)
    %dma_wait3A_48 = arith.constant 0 : i32
    %dma_wait3A_49 = arith.constant 128 : i32
    %dma_wait3A_50 = tpu.memref_slice %arg8[%dma_wait3A_48, %dma_wait3A_49] : memref<2x256xi32, #tpu.memory_space<vmem>> -> memref<1x64xi32, #tpu.memory_space<vmem>>
    %dma_wait3A_51 = tpu.memref_squeeze %dma_wait3A_50 : memref<1x64xi32, #tpu.memory_space<vmem>> -> memref<64xi32, #tpu.memory_space<vmem>>
    %dma_wait3A_52 = arith.constant 0 : i32
    %dma_wait3A_53 = arith.constant 0 : i32
    %dma_wait3A_54 = tpu.memref_slice %arg4[%dma_wait3A_52, %dma_wait3A_53] : memref<30522x768xf32, #tpu.memory_space<hbm>> -> memref<30522x768xf32, #tpu.memory_space<hbm>>
    tpu.wait_indirect_dma semaphore(%arg11 : memref<!tpu.dma_semaphore, #tpu.memory_space<semaphore_mem>>) src(%dma_wait3A_54 : memref<30522x768xf32, #tpu.memory_space<hbm>>) dst(%arg9 : memref<64x768xf32, #tpu.memory_space<vmem>>)
    %add3A_55 = arith.constant 128 : i32
    %add3A_56 = arith.addi %mul3A_2, %add3A_55 : i32
    "tpu.region"() ({
      %run_scoped3A_130 = tpu.sem_alloc : memref<!tpu.dma_semaphore, #tpu.memory_space<semaphore_mem>>
      %dma_start3A_131 = arith.constant 0 : i32
      %dma_start3A_132 = tpu.memref_slice %arg6[%add3A_56, %dma_start3A_131] : memref<8192x768xf32, #tpu.memory_space<hbm>> -> memref<64x768xf32, #tpu.memory_space<hbm>>
      %dma_start3A_133 = arith.constant 0 : i32
      %dma_start3A_134 = tpu.memref_slice %arg6[%add3A_56, %dma_start3A_133] : memref<8192x768xf32, #tpu.memory_space<hbm>> -> memref<64x768xf32, #tpu.memory_space<hbm>>
      tpu.enqueue_dma source(%arg9 : memref<64x768xf32, #tpu.memory_space<vmem>>) target(%dma_start3A_134 : memref<64x768xf32, #tpu.memory_space<hbm>>) target_semaphore(%run_scoped3A_130 : memref<!tpu.dma_semaphore, #tpu.memory_space<semaphore_mem>>)
      %dma_wait3A_135 = arith.constant 0 : i32
      %dma_wait3A_136 = tpu.memref_slice %arg6[%add3A_56, %dma_wait3A_135] : memref<8192x768xf32, #tpu.memory_space<hbm>> -> memref<64x768xf32, #tpu.memory_space<hbm>>
      %dma_wait3A_137 = arith.constant 0 : i32
      %dma_wait3A_138 = tpu.memref_slice %arg6[%add3A_56, %dma_wait3A_137] : memref<8192x768xf32, #tpu.memory_space<hbm>> -> memref<64x768xf32, #tpu.memory_space<hbm>>
      tpu.wait_dma2 semaphore(%run_scoped3A_130 : memref<!tpu.dma_semaphore, #tpu.memory_space<semaphore_mem>>) src(%arg9 : memref<64x768xf32, #tpu.memory_space<vmem>>) dst(%dma_wait3A_138 : memref<64x768xf32, #tpu.memory_space<hbm>>)
      tpu.yield
    }) : () -> ()
    %dma_start3A_57 = arith.constant 1 : i32
    %dma_start3A_58 = arith.constant 0 : i32
    %dma_start3A_59 = tpu.memref_slice %arg8[%dma_start3A_57, %dma_start3A_58] : memref<2x256xi32, #tpu.memory_space<vmem>> -> memref<1x64xi32, #tpu.memory_space<vmem>>
    %dma_start3A_60 = tpu.memref_squeeze %dma_start3A_59 : memref<1x64xi32, #tpu.memory_space<vmem>> -> memref<64xi32, #tpu.memory_space<vmem>>
    %dma_start3A_61 = arith.constant 0 : i32
    %dma_start3A_62 = arith.constant 0 : i32
    %dma_start3A_63 = tpu.memref_slice %arg5[%dma_start3A_61, %dma_start3A_62] : memref<30522x768xf32, #tpu.memory_space<hbm>> -> memref<30522x768xf32, #tpu.memory_space<hbm>>
    tpu.enqueue_indirect_dma source(%dma_start3A_63 : memref<30522x768xf32, #tpu.memory_space<hbm>>) target(%arg9 : memref<64x768xf32, #tpu.memory_space<vmem>>) offsets(%dma_start3A_60 : memref<64xi32, #tpu.memory_space<vmem>>) semaphore(%arg11 : memref<!tpu.dma_semaphore, #tpu.memory_space<semaphore_mem>>)
    %dma_wait3A_64 = arith.constant 0 : i32
    %dma_wait3A_65 = arith.constant 192 : i32
    %dma_wait3A_66 = tpu.memref_slice %arg8[%dma_wait3A_64, %dma_wait3A_65] : memref<2x256xi32, #tpu.memory_space<vmem>> -> memref<1x64xi32, #tpu.memory_space<vmem>>
    %dma_wait3A_67 = tpu.memref_squeeze %dma_wait3A_66 : memref<1x64xi32, #tpu.memory_space<vmem>> -> memref<64xi32, #tpu.memory_space<vmem>>
    %dma_wait3A_68 = arith.constant 0 : i32
    %dma_wait3A_69 = arith.constant 0 : i32
    %dma_wait3A_70 = tpu.memref_slice %arg4[%dma_wait3A_68, %dma_wait3A_69] : memref<30522x768xf32, #tpu.memory_space<hbm>> -> memref<30522x768xf32, #tpu.memory_space<hbm>>
    tpu.wait_indirect_dma semaphore(%arg12 : memref<!tpu.dma_semaphore, #tpu.memory_space<semaphore_mem>>) src(%dma_wait3A_70 : memref<30522x768xf32, #tpu.memory_space<hbm>>) dst(%arg10 : memref<64x768xf32, #tpu.memory_space<vmem>>)
    %add3A_71 = arith.constant 192 : i32
    %add3A_72 = arith.addi %mul3A_2, %add3A_71 : i32
    "tpu.region"() ({
      %run_scoped3A_130 = tpu.sem_alloc : memref<!tpu.dma_semaphore, #tpu.memory_space<semaphore_mem>>
      %dma_start3A_131 = arith.constant 0 : i32
      %dma_start3A_132 = tpu.memref_slice %arg6[%add3A_72, %dma_start3A_131] : memref<8192x768xf32, #tpu.memory_space<hbm>> -> memref<64x768xf32, #tpu.memory_space<hbm>>
      %dma_start3A_133 = arith.constant 0 : i32
      %dma_start3A_134 = tpu.memref_slice %arg6[%add3A_72, %dma_start3A_133] : memref<8192x768xf32, #tpu.memory_space<hbm>> -> memref<64x768xf32, #tpu.memory_space<hbm>>
      tpu.enqueue_dma source(%arg10 : memref<64x768xf32, #tpu.memory_space<vmem>>) target(%dma_start3A_134 : memref<64x768xf32, #tpu.memory_space<hbm>>) target_semaphore(%run_scoped3A_130 : memref<!tpu.dma_semaphore, #tpu.memory_space<semaphore_mem>>)
      %dma_wait3A_135 = arith.constant 0 : i32
      %dma_wait3A_136 = tpu.memref_slice %arg6[%add3A_72, %dma_wait3A_135] : memref<8192x768xf32, #tpu.memory_space<hbm>> -> memref<64x768xf32, #tpu.memory_space<hbm>>
      %dma_wait3A_137 = arith.constant 0 : i32
      %dma_wait3A_138 = tpu.memref_slice %arg6[%add3A_72, %dma_wait3A_137] : memref<8192x768xf32, #tpu.memory_space<hbm>> -> memref<64x768xf32, #tpu.memory_space<hbm>>
      tpu.wait_dma2 semaphore(%run_scoped3A_130 : memref<!tpu.dma_semaphore, #tpu.memory_space<semaphore_mem>>) src(%arg10 : memref<64x768xf32, #tpu.memory_space<vmem>>) dst(%dma_wait3A_138 : memref<64x768xf32, #tpu.memory_space<hbm>>)
      tpu.yield
    }) : () -> ()
    %dma_start3A_73 = arith.constant 1 : i32
    %dma_start3A_74 = arith.constant 64 : i32
    %dma_start3A_75 = tpu.memref_slice %arg8[%dma_start3A_73, %dma_start3A_74] : memref<2x256xi32, #tpu.memory_space<vmem>> -> memref<1x64xi32, #tpu.memory_space<vmem>>
    %dma_start3A_76 = tpu.memref_squeeze %dma_start3A_75 : memref<1x64xi32, #tpu.memory_space<vmem>> -> memref<64xi32, #tpu.memory_space<vmem>>
    %dma_start3A_77 = arith.constant 0 : i32
    %dma_start3A_78 = arith.constant 0 : i32
    %dma_start3A_79 = tpu.memref_slice %arg5[%dma_start3A_77, %dma_start3A_78] : memref<30522x768xf32, #tpu.memory_space<hbm>> -> memref<30522x768xf32, #tpu.memory_space<hbm>>
    tpu.enqueue_indirect_dma source(%dma_start3A_79 : memref<30522x768xf32, #tpu.memory_space<hbm>>) target(%arg10 : memref<64x768xf32, #tpu.memory_space<vmem>>) offsets(%dma_start3A_76 : memref<64xi32, #tpu.memory_space<vmem>>) semaphore(%arg12 : memref<!tpu.dma_semaphore, #tpu.memory_space<semaphore_mem>>)
    %dma_wait3A_80 = arith.constant 1 : i32
    %dma_wait3A_81 = arith.constant 0 : i32
    %dma_wait3A_82 = tpu.memref_slice %arg8[%dma_wait3A_80, %dma_wait3A_81] : memref<2x256xi32, #tpu.memory_space<vmem>> -> memref<1x64xi32, #tpu.memory_space<vmem>>
    %dma_wait3A_83 = tpu.memref_squeeze %dma_wait3A_82 : memref<1x64xi32, #tpu.memory_space<vmem>> -> memref<64xi32, #tpu.memory_space<vmem>>
    %dma_wait3A_84 = arith.constant 0 : i32
    %dma_wait3A_85 = arith.constant 0 : i32
    %dma_wait3A_86 = tpu.memref_slice %arg5[%dma_wait3A_84, %dma_wait3A_85] : memref<30522x768xf32, #tpu.memory_space<hbm>> -> memref<30522x768xf32, #tpu.memory_space<hbm>>
    tpu.wait_indirect_dma semaphore(%arg11 : memref<!tpu.dma_semaphore, #tpu.memory_space<semaphore_mem>>) src(%dma_wait3A_86 : memref<30522x768xf32, #tpu.memory_space<hbm>>) dst(%arg9 : memref<64x768xf32, #tpu.memory_space<vmem>>)
    %add3A_87 = arith.constant 0 : i32
    %add3A_88 = arith.addi %mul3A_2, %add3A_87 : i32
    "tpu.region"() ({
      %run_scoped3A_130 = tpu.sem_alloc : memref<!tpu.dma_semaphore, #tpu.memory_space<semaphore_mem>>
      %dma_start3A_131 = arith.constant 0 : i32
      %dma_start3A_132 = tpu.memref_slice %arg7[%add3A_88, %dma_start3A_131] : memref<8192x768xf32, #tpu.memory_space<hbm>> -> memref<64x768xf32, #tpu.memory_space<hbm>>
      %dma_start3A_133 = arith.constant 0 : i32
      %dma_start3A_134 = tpu.memref_slice %arg7[%add3A_88, %dma_start3A_133] : memref<8192x768xf32, #tpu.memory_space<hbm>> -> memref<64x768xf32, #tpu.memory_space<hbm>>
      tpu.enqueue_dma source(%arg9 : memref<64x768xf32, #tpu.memory_space<vmem>>) target(%dma_start3A_134 : memref<64x768xf32, #tpu.memory_space<hbm>>) target_semaphore(%run_scoped3A_130 : memref<!tpu.dma_semaphore, #tpu.memory_space<semaphore_mem>>)
      %dma_wait3A_135 = arith.constant 0 : i32
      %dma_wait3A_136 = tpu.memref_slice %arg7[%add3A_88, %dma_wait3A_135] : memref<8192x768xf32, #tpu.memory_space<hbm>> -> memref<64x768xf32, #tpu.memory_space<hbm>>
      %dma_wait3A_137 = arith.constant 0 : i32
      %dma_wait3A_138 = tpu.memref_slice %arg7[%add3A_88, %dma_wait3A_137] : memref<8192x768xf32, #tpu.memory_space<hbm>> -> memref<64x768xf32, #tpu.memory_space<hbm>>
      tpu.wait_dma2 semaphore(%run_scoped3A_130 : memref<!tpu.dma_semaphore, #tpu.memory_space<semaphore_mem>>) src(%arg9 : memref<64x768xf32, #tpu.memory_space<vmem>>) dst(%dma_wait3A_138 : memref<64x768xf32, #tpu.memory_space<hbm>>)
      tpu.yield
    }) : () -> ()
    %dma_start3A_89 = arith.constant 1 : i32
    %dma_start3A_90 = arith.constant 128 : i32
    %dma_start3A_91 = tpu.memref_slice %arg8[%dma_start3A_89, %dma_start3A_90] : memref<2x256xi32, #tpu.memory_space<vmem>> -> memref<1x64xi32, #tpu.memory_space<vmem>>
    %dma_start3A_92 = tpu.memref_squeeze %dma_start3A_91 : memref<1x64xi32, #tpu.memory_space<vmem>> -> memref<64xi32, #tpu.memory_space<vmem>>
    %dma_start3A_93 = arith.constant 0 : i32
    %dma_start3A_94 = arith.constant 0 : i32
    %dma_start3A_95 = tpu.memref_slice %arg5[%dma_start3A_93, %dma_start3A_94] : memref<30522x768xf32, #tpu.memory_space<hbm>> -> memref<30522x768xf32, #tpu.memory_space<hbm>>
    tpu.enqueue_indirect_dma source(%dma_start3A_95 : memref<30522x768xf32, #tpu.memory_space<hbm>>) target(%arg9 : memref<64x768xf32, #tpu.memory_space<vmem>>) offsets(%dma_start3A_92 : memref<64xi32, #tpu.memory_space<vmem>>) semaphore(%arg11 : memref<!tpu.dma_semaphore, #tpu.memory_space<semaphore_mem>>)
    %dma_wait3A_96 = arith.constant 1 : i32
    %dma_wait3A_97 = arith.constant 64 : i32
    %dma_wait3A_98 = tpu.memref_slice %arg8[%dma_wait3A_96, %dma_wait3A_97] : memref<2x256xi32, #tpu.memory_space<vmem>> -> memref<1x64xi32, #tpu.memory_space<vmem>>
    %dma_wait3A_99 = tpu.memref_squeeze %dma_wait3A_98 : memref<1x64xi32, #tpu.memory_space<vmem>> -> memref<64xi32, #tpu.memory_space<vmem>>
    %dma_wait3A_100 = arith.constant 0 : i32
    %dma_wait3A_101 = arith.constant 0 : i32
    %dma_wait3A_102 = tpu.memref_slice %arg5[%dma_wait3A_100, %dma_wait3A_101] : memref<30522x768xf32, #tpu.memory_space<hbm>> -> memref<30522x768xf32, #tpu.memory_space<hbm>>
    tpu.wait_indirect_dma semaphore(%arg12 : memref<!tpu.dma_semaphore, #tpu.memory_space<semaphore_mem>>) src(%dma_wait3A_102 : memref<30522x768xf32, #tpu.memory_space<hbm>>) dst(%arg10 : memref<64x768xf32, #tpu.memory_space<vmem>>)
    %add3A_103 = arith.constant 64 : i32
    %add3A_104 = arith.addi %mul3A_2, %add3A_103 : i32
    "tpu.region"() ({
      %run_scoped3A_130 = tpu.sem_alloc : memref<!tpu.dma_semaphore, #tpu.memory_space<semaphore_mem>>
      %dma_start3A_131 = arith.constant 0 : i32
      %dma_start3A_132 = tpu.memref_slice %arg7[%add3A_104, %dma_start3A_131] : memref<8192x768xf32, #tpu.memory_space<hbm>> -> memref<64x768xf32, #tpu.memory_space<hbm>>
      %dma_start3A_133 = arith.constant 0 : i32
      %dma_start3A_134 = tpu.memref_slice %arg7[%add3A_104, %dma_start3A_133] : memref<8192x768xf32, #tpu.memory_space<hbm>> -> memref<64x768xf32, #tpu.memory_space<hbm>>
      tpu.enqueue_dma source(%arg10 : memref<64x768xf32, #tpu.memory_space<vmem>>) target(%dma_start3A_134 : memref<64x768xf32, #tpu.memory_space<hbm>>) target_semaphore(%run_scoped3A_130 : memref<!tpu.dma_semaphore, #tpu.memory_space<semaphore_mem>>)
      %dma_wait3A_135 = arith.constant 0 : i32
      %dma_wait3A_136 = tpu.memref_slice %arg7[%add3A_104, %dma_wait3A_135] : memref<8192x768xf32, #tpu.memory_space<hbm>> -> memref<64x768xf32, #tpu.memory_space<hbm>>
      %dma_wait3A_137 = arith.constant 0 : i32
      %dma_wait3A_138 = tpu.memref_slice %arg7[%add3A_104, %dma_wait3A_137] : memref<8192x768xf32, #tpu.memory_space<hbm>> -> memref<64x768xf32, #tpu.memory_space<hbm>>
      tpu.wait_dma2 semaphore(%run_scoped3A_130 : memref<!tpu.dma_semaphore, #tpu.memory_space<semaphore_mem>>) src(%arg10 : memref<64x768xf32, #tpu.memory_space<vmem>>) dst(%dma_wait3A_138 : memref<64x768xf32, #tpu.memory_space<hbm>>)
      tpu.yield
    }) : () -> ()
    %dma_start3A_105 = arith.constant 1 : i32
    %dma_start3A_106 = arith.constant 192 : i32
    %dma_start3A_107 = tpu.memref_slice %arg8[%dma_start3A_105, %dma_start3A_106] : memref<2x256xi32, #tpu.memory_space<vmem>> -> memref<1x64xi32, #tpu.memory_space<vmem>>
    %dma_start3A_108 = tpu.memref_squeeze %dma_start3A_107 : memref<1x64xi32, #tpu.memory_space<vmem>> -> memref<64xi32, #tpu.memory_space<vmem>>
    %dma_start3A_109 = arith.constant 0 : i32
    %dma_start3A_110 = arith.constant 0 : i32
    %dma_start3A_111 = tpu.memref_slice %arg5[%dma_start3A_109, %dma_start3A_110] : memref<30522x768xf32, #tpu.memory_space<hbm>> -> memref<30522x768xf32, #tpu.memory_space<hbm>>
    tpu.enqueue_indirect_dma source(%dma_start3A_111 : memref<30522x768xf32, #tpu.memory_space<hbm>>) target(%arg10 : memref<64x768xf32, #tpu.memory_space<vmem>>) offsets(%dma_start3A_108 : memref<64xi32, #tpu.memory_space<vmem>>) semaphore(%arg12 : memref<!tpu.dma_semaphore, #tpu.memory_space<semaphore_mem>>)
    %dma_wait3A_112 = arith.constant 1 : i32
    %dma_wait3A_113 = arith.constant 128 : i32
    %dma_wait3A_114 = tpu.memref_slice %arg8[%dma_wait3A_112, %dma_wait3A_113] : memref<2x256xi32, #tpu.memory_space<vmem>> -> memref<1x64xi32, #tpu.memory_space<vmem>>
    %dma_wait3A_115 = tpu.memref_squeeze %dma_wait3A_114 : memref<1x64xi32, #tpu.memory_space<vmem>> -> memref<64xi32, #tpu.memory_space<vmem>>
    %dma_wait3A_116 = arith.constant 0 : i32
    %dma_wait3A_117 = arith.constant 0 : i32
    %dma_wait3A_118 = tpu.memref_slice %arg5[%dma_wait3A_116, %dma_wait3A_117] : memref<30522x768xf32, #tpu.memory_space<hbm>> -> memref<30522x768xf32, #tpu.memory_space<hbm>>
    tpu.wait_indirect_dma semaphore(%arg11 : memref<!tpu.dma_semaphore, #tpu.memory_space<semaphore_mem>>) src(%dma_wait3A_118 : memref<30522x768xf32, #tpu.memory_space<hbm>>) dst(%arg9 : memref<64x768xf32, #tpu.memory_space<vmem>>)
    %add3A_119 = arith.constant 128 : i32
    %add3A_120 = arith.addi %mul3A_2, %add3A_119 : i32
    "tpu.region"() ({
      %run_scoped3A_130 = tpu.sem_alloc : memref<!tpu.dma_semaphore, #tpu.memory_space<semaphore_mem>>
      %dma_start3A_131 = arith.constant 0 : i32
      %dma_start3A_132 = tpu.memref_slice %arg7[%add3A_120, %dma_start3A_131] : memref<8192x768xf32, #tpu.memory_space<hbm>> -> memref<64x768xf32, #tpu.memory_space<hbm>>
      %dma_start3A_133 = arith.constant 0 : i32
      %dma_start3A_134 = tpu.memref_slice %arg7[%add3A_120, %dma_start3A_133] : memref<8192x768xf32, #tpu.memory_space<hbm>> -> memref<64x768xf32, #tpu.memory_space<hbm>>
      tpu.enqueue_dma source(%arg9 : memref<64x768xf32, #tpu.memory_space<vmem>>) target(%dma_start3A_134 : memref<64x768xf32, #tpu.memory_space<hbm>>) target_semaphore(%run_scoped3A_130 : memref<!tpu.dma_semaphore, #tpu.memory_space<semaphore_mem>>)
      %dma_wait3A_135 = arith.constant 0 : i32
      %dma_wait3A_136 = tpu.memref_slice %arg7[%add3A_120, %dma_wait3A_135] : memref<8192x768xf32, #tpu.memory_space<hbm>> -> memref<64x768xf32, #tpu.memory_space<hbm>>
      %dma_wait3A_137 = arith.constant 0 : i32
      %dma_wait3A_138 = tpu.memref_slice %arg7[%add3A_120, %dma_wait3A_137] : memref<8192x768xf32, #tpu.memory_space<hbm>> -> memref<64x768xf32, #tpu.memory_space<hbm>>
      tpu.wait_dma2 semaphore(%run_scoped3A_130 : memref<!tpu.dma_semaphore, #tpu.memory_space<semaphore_mem>>) src(%arg9 : memref<64x768xf32, #tpu.memory_space<vmem>>) dst(%dma_wait3A_138 : memref<64x768xf32, #tpu.memory_space<hbm>>)
      tpu.yield
    }) : () -> ()
    %dma_wait3A_121 = arith.constant 1 : i32
    %dma_wait3A_122 = arith.constant 192 : i32
    %dma_wait3A_123 = tpu.memref_slice %arg8[%dma_wait3A_121, %dma_wait3A_122] : memref<2x256xi32, #tpu.memory_space<vmem>> -> memref<1x64xi32, #tpu.memory_space<vmem>>
    %dma_wait3A_124 = tpu.memref_squeeze %dma_wait3A_123 : memref<1x64xi32, #tpu.memory_space<vmem>> -> memref<64xi32, #tpu.memory_space<vmem>>
    %dma_wait3A_125 = arith.constant 0 : i32
    %dma_wait3A_126 = arith.constant 0 : i32
    %dma_wait3A_127 = tpu.memref_slice %arg5[%dma_wait3A_125, %dma_wait3A_126] : memref<30522x768xf32, #tpu.memory_space<hbm>> -> memref<30522x768xf32, #tpu.memory_space<hbm>>
    tpu.wait_indirect_dma semaphore(%arg12 : memref<!tpu.dma_semaphore, #tpu.memory_space<semaphore_mem>>) src(%dma_wait3A_127 : memref<30522x768xf32, #tpu.memory_space<hbm>>) dst(%arg10 : memref<64x768xf32, #tpu.memory_space<vmem>>)
    %add3A_128 = arith.constant 192 : i32
    %add3A_129 = arith.addi %mul3A_2, %add3A_128 : i32
    "tpu.region"() ({
      %run_scoped3A_130 = tpu.sem_alloc : memref<!tpu.dma_semaphore, #tpu.memory_space<semaphore_mem>>
      %dma_start3A_131 = arith.constant 0 : i32
      %dma_start3A_132 = tpu.memref_slice %arg7[%add3A_129, %dma_start3A_131] : memref<8192x768xf32, #tpu.memory_space<hbm>> -> memref<64x768xf32, #tpu.memory_space<hbm>>
      %dma_start3A_133 = arith.constant 0 : i32
      %dma_start3A_134 = tpu.memref_slice %arg7[%add3A_129, %dma_start3A_133] : memref<8192x768xf32, #tpu.memory_space<hbm>> -> memref<64x768xf32, #tpu.memory_space<hbm>>
      tpu.enqueue_dma source(%arg10 : memref<64x768xf32, #tpu.memory_space<vmem>>) target(%dma_start3A_134 : memref<64x768xf32, #tpu.memory_space<hbm>>) target_semaphore(%run_scoped3A_130 : memref<!tpu.dma_semaphore, #tpu.memory_space<semaphore_mem>>)
      %dma_wait3A_135 = arith.constant 0 : i32
      %dma_wait3A_136 = tpu.memref_slice %arg7[%add3A_129, %dma_wait3A_135] : memref<8192x768xf32, #tpu.memory_space<hbm>> -> memref<64x768xf32, #tpu.memory_space<hbm>>
      %dma_wait3A_137 = arith.constant 0 : i32
      %dma_wait3A_138 = tpu.memref_slice %arg7[%add3A_129, %dma_wait3A_137] : memref<8192x768xf32, #tpu.memory_space<hbm>> -> memref<64x768xf32, #tpu.memory_space<hbm>>
      tpu.wait_dma2 semaphore(%run_scoped3A_130 : memref<!tpu.dma_semaphore, #tpu.memory_space<semaphore_mem>>) src(%arg10 : memref<64x768xf32, #tpu.memory_space<vmem>>) dst(%dma_wait3A_138 : memref<64x768xf32, #tpu.memory_space<hbm>>)
      tpu.yield
    }) : () -> ()
    return
  }
}

module attributes {stable_mosaic.version = 14 : i64} {
  func.func @_ln_tc_body(%arg0: i32, %arg1: i32, %arg2: memref<1x1x1024xi32, #tpu.memory_space<vmem>>, %arg3: memref<1x1x1024xi32, #tpu.memory_space<vmem>>, %arg4: memref<2x768xf32, #tpu.memory_space<vmem>>, %arg5: memref<1024x768xf32, #tpu.memory_space<vmem>>, %arg6: memref<1024x768xf32, #tpu.memory_space<vmem>>, %arg7: memref<1024x768xf32, #tpu.memory_space<vmem>>, %arg8: memref<1x768xf32, #tpu.memory_space<vmem>>, %arg9: memref<1x768xf32, #tpu.memory_space<vmem>>, %arg10: memref<1x768xf32, #tpu.memory_space<vmem>>, %arg11: memref<1x768xf32, #tpu.memory_space<vmem>>, %arg12: memref<1024x768xf32, #tpu.memory_space<vmem>>, %arg13: memref<1024x768xf32, #tpu.memory_space<vmem>>) attributes {dimension_semantics = [#tpu.dimension_semantics<arbitrary>, #tpu.dimension_semantics<arbitrary>], iteration_bounds = array<i64: 2, 4>, scalar_prefetch = 0 : i64, scratch_operands = 0 : i64, tpu.core_type = #tpu.core_type<tc>, window_params = [{transform_indices = @transform_0, window_bounds = array<i64: 1, 1, 1024>}, {transform_indices = @transform_1, window_bounds = array<i64: 1, 1, 1024>}, {pipeline_mode = #tpu.pipeline_mode<synchronous>, transform_indices = @transform_2, window_bounds = array<i64: 2, 768>}, {transform_indices = @transform_3, window_bounds = array<i64: 1024, 768>}, {transform_indices = @transform_4, window_bounds = array<i64: 1024, 768>}, {transform_indices = @transform_5, window_bounds = array<i64: 1024, 768>}, {pipeline_mode = #tpu.pipeline_mode<synchronous>, transform_indices = @transform_6, window_bounds = array<i64: 1, 768>}, {pipeline_mode = #tpu.pipeline_mode<synchronous>, transform_indices = @transform_7, window_bounds = array<i64: 1, 768>}, {pipeline_mode = #tpu.pipeline_mode<synchronous>, transform_indices = @transform_8, window_bounds = array<i64: 1, 768>}, {pipeline_mode = #tpu.pipeline_mode<synchronous>, transform_indices = @transform_9, window_bounds = array<i64: 1, 768>}, {transform_indices = @transform_10, window_bounds = array<i64: 1024, 768>}, {transform_indices = @transform_11, window_bounds = array<i64: 1024, 768>}]} {
    %get3A = arith.constant 0 : index
    %get3A_0 = arith.constant 0 : index
    %get3A_1 = vector.load %arg5[%get3A, %get3A_0] : memref<1024x768xf32, #tpu.memory_space<vmem>>, vector<1024x768xf32>
    %get3A_2 = arith.constant 0 : index
    %get3A_3 = arith.constant 0 : index
    %get3A_4 = arith.constant 0 : index
    %get3A_5 = vector.load %arg2[%get3A_2, %get3A_3, %get3A_4] : memref<1x1x1024xi32, #tpu.memory_space<vmem>>, vector<1x1x1024xi32>
    %get3A_6 = vector.shape_cast %get3A_5 : vector<1x1x1024xi32> to vector<1024xi32>
    %convert_element_type3A = arith.sitofp %get3A_6 : vector<1024xi32> to vector<1024xf32>
    %reshape3A = vector.shape_cast %convert_element_type3A : vector<1024xf32> to vector<1024x1xf32>
    %get3A_7 = arith.constant 0 : index
    %get3A_8 = arith.constant 0 : index
    %get3A_9 = vector.load %arg4[%get3A_7, %get3A_8] : memref<2x768xf32, #tpu.memory_space<vmem>>, vector<1x768xf32>
    %get3A_10 = arith.constant 1 : index
    %get3A_11 = arith.constant 0 : index
    %get3A_12 = vector.load %arg4[%get3A_10, %get3A_11] : memref<2x768xf32, #tpu.memory_space<vmem>>, vector<1x768xf32>
    %sub3A = arith.subf %get3A_12, %get3A_9 : vector<1x768xf32>
    %get3A_13 = arith.constant 0 : index
    %get3A_14 = arith.constant 0 : index
    %get3A_15 = vector.load %arg6[%get3A_13, %get3A_14] : memref<1024x768xf32, #tpu.memory_space<vmem>>, vector<1024x768xf32>
    %add3A = arith.addf %get3A_15, %get3A_1 : vector<1024x768xf32>
    %mul3A = vector.broadcast %reshape3A : vector<1024x1xf32> to vector<1024x768xf32>
    %mul3A_16 = vector.broadcast %sub3A : vector<1x768xf32> to vector<1024x768xf32>
    %mul3A_17 = arith.mulf %mul3A, %mul3A_16 : vector<1024x768xf32>
    %add3A_18 = vector.broadcast %get3A_9 : vector<1x768xf32> to vector<1024x768xf32>
    %add3A_19 = arith.addf %add3A_18, %mul3A_17 : vector<1024x768xf32>
    %add3A_20 = arith.addf %add3A, %add3A_19 : vector<1024x768xf32>
    %reduce_sum3A = arith.constant dense<0.000000e+00> : vector<1024xf32>
    %reduce_sum3A_21 = vector.multi_reduction <add>, %add3A_20, %reduce_sum3A [1] : vector<1024x768xf32> to vector<1024xf32>
    %broadcast_in_dim3A = vector.shape_cast %reduce_sum3A_21 : vector<1024xf32> to vector<1024x1xf32>
    %div3A = arith.constant 7.680000e+02 : f32
    %div3A_22 = vector.broadcast %div3A : f32 to vector<1024x1xf32>
    %div3A_23 = arith.divf %broadcast_in_dim3A, %div3A_22 : vector<1024x1xf32>
    %sub3A_24 = vector.broadcast %div3A_23 : vector<1024x1xf32> to vector<1024x768xf32>
    %sub3A_25 = arith.subf %add3A_20, %sub3A_24 : vector<1024x768xf32>
    %mul3A_26 = arith.mulf %sub3A_25, %sub3A_25 : vector<1024x768xf32>
    %reduce_sum3A_27 = arith.constant dense<0.000000e+00> : vector<1024xf32>
    %reduce_sum3A_28 = vector.multi_reduction <add>, %mul3A_26, %reduce_sum3A_27 [1] : vector<1024x768xf32> to vector<1024xf32>
    %broadcast_in_dim3A_29 = vector.shape_cast %reduce_sum3A_28 : vector<1024xf32> to vector<1024x1xf32>
    %div3A_30 = arith.constant 7.680000e+02 : f32
    %div3A_31 = vector.broadcast %div3A_30 : f32 to vector<1024x1xf32>
    %div3A_32 = arith.divf %broadcast_in_dim3A_29, %div3A_31 : vector<1024x1xf32>
    %add3A_33 = arith.constant 9.99999996E-13 : f32
    %add3A_34 = vector.broadcast %add3A_33 : f32 to vector<1024x1xf32>
    %add3A_35 = arith.addf %div3A_32, %add3A_34 : vector<1024x1xf32>
    %rsqrt3A = math.rsqrt %add3A_35 : vector<1024x1xf32>
    %mul3A_36 = vector.broadcast %rsqrt3A : vector<1024x1xf32> to vector<1024x768xf32>
    %mul3A_37 = arith.mulf %sub3A_25, %mul3A_36 : vector<1024x768xf32>
    %get3A_38 = arith.constant 0 : index
    %get3A_39 = arith.constant 0 : index
    %get3A_40 = vector.load %arg8[%get3A_38, %get3A_39] : memref<1x768xf32, #tpu.memory_space<vmem>>, vector<1x768xf32>
    %mul3A_41 = vector.broadcast %get3A_40 : vector<1x768xf32> to vector<1024x768xf32>
    %mul3A_42 = arith.mulf %mul3A_37, %mul3A_41 : vector<1024x768xf32>
    %get3A_43 = arith.constant 0 : index
    %get3A_44 = arith.constant 0 : index
    %get3A_45 = vector.load %arg9[%get3A_43, %get3A_44] : memref<1x768xf32, #tpu.memory_space<vmem>>, vector<1x768xf32>
    %add3A_46 = vector.broadcast %get3A_45 : vector<1x768xf32> to vector<1024x768xf32>
    %add3A_47 = arith.addf %mul3A_42, %add3A_46 : vector<1024x768xf32>
    %swap3A = arith.constant 0 : index
    %swap3A_48 = arith.constant 0 : index
    %swap3A_49 = vector.load %arg12[%swap3A, %swap3A_48] : memref<1024x768xf32, #tpu.memory_space<vmem>>, vector<1024x768xf32>
    tpu.vector_store %arg12[%swap3A, %swap3A_48], %add3A_47 {strides = array<i32>} : memref<1024x768xf32, #tpu.memory_space<vmem>>, vector<1024x768xf32>,
    %get3A_50 = arith.constant 0 : index
    %get3A_51 = arith.constant 0 : index
    %get3A_52 = arith.constant 0 : index
    %get3A_53 = vector.load %arg3[%get3A_50, %get3A_51, %get3A_52] : memref<1x1x1024xi32, #tpu.memory_space<vmem>>, vector<1x1x1024xi32>
    %get3A_54 = vector.shape_cast %get3A_53 : vector<1x1x1024xi32> to vector<1024xi32>
    %convert_element_type3A_55 = arith.sitofp %get3A_54 : vector<1024xi32> to vector<1024xf32>
    %reshape3A_56 = vector.shape_cast %convert_element_type3A_55 : vector<1024xf32> to vector<1024x1xf32>
    %get3A_57 = arith.constant 0 : index
    %get3A_58 = arith.constant 0 : index
    %get3A_59 = vector.load %arg4[%get3A_57, %get3A_58] : memref<2x768xf32, #tpu.memory_space<vmem>>, vector<1x768xf32>
    %get3A_60 = arith.constant 1 : index
    %get3A_61 = arith.constant 0 : index
    %get3A_62 = vector.load %arg4[%get3A_60, %get3A_61] : memref<2x768xf32, #tpu.memory_space<vmem>>, vector<1x768xf32>
    %sub3A_63 = arith.subf %get3A_62, %get3A_59 : vector<1x768xf32>
    %get3A_64 = arith.constant 0 : index
    %get3A_65 = arith.constant 0 : index
    %get3A_66 = vector.load %arg7[%get3A_64, %get3A_65] : memref<1024x768xf32, #tpu.memory_space<vmem>>, vector<1024x768xf32>
    %add3A_67 = arith.addf %get3A_66, %get3A_1 : vector<1024x768xf32>
    %mul3A_68 = vector.broadcast %reshape3A_56 : vector<1024x1xf32> to vector<1024x768xf32>
    %mul3A_69 = vector.broadcast %sub3A_63 : vector<1x768xf32> to vector<1024x768xf32>
    %mul3A_70 = arith.mulf %mul3A_68, %mul3A_69 : vector<1024x768xf32>
    %add3A_71 = vector.broadcast %get3A_59 : vector<1x768xf32> to vector<1024x768xf32>
    %add3A_72 = arith.addf %add3A_71, %mul3A_70 : vector<1024x768xf32>
    %add3A_73 = arith.addf %add3A_67, %add3A_72 : vector<1024x768xf32>
    %reduce_sum3A_74 = arith.constant dense<0.000000e+00> : vector<1024xf32>
    %reduce_sum3A_75 = vector.multi_reduction <add>, %add3A_73, %reduce_sum3A_74 [1] : vector<1024x768xf32> to vector<1024xf32>
    %broadcast_in_dim3A_76 = vector.shape_cast %reduce_sum3A_75 : vector<1024xf32> to vector<1024x1xf32>
    %div3A_77 = arith.constant 7.680000e+02 : f32
    %div3A_78 = vector.broadcast %div3A_77 : f32 to vector<1024x1xf32>
    %div3A_79 = arith.divf %broadcast_in_dim3A_76, %div3A_78 : vector<1024x1xf32>
    %sub3A_80 = vector.broadcast %div3A_79 : vector<1024x1xf32> to vector<1024x768xf32>
    %sub3A_81 = arith.subf %add3A_73, %sub3A_80 : vector<1024x768xf32>
    %mul3A_82 = arith.mulf %sub3A_81, %sub3A_81 : vector<1024x768xf32>
    %reduce_sum3A_83 = arith.constant dense<0.000000e+00> : vector<1024xf32>
    %reduce_sum3A_84 = vector.multi_reduction <add>, %mul3A_82, %reduce_sum3A_83 [1] : vector<1024x768xf32> to vector<1024xf32>
    %broadcast_in_dim3A_85 = vector.shape_cast %reduce_sum3A_84 : vector<1024xf32> to vector<1024x1xf32>
    %div3A_86 = arith.constant 7.680000e+02 : f32
    %div3A_87 = vector.broadcast %div3A_86 : f32 to vector<1024x1xf32>
    %div3A_88 = arith.divf %broadcast_in_dim3A_85, %div3A_87 : vector<1024x1xf32>
    %add3A_89 = arith.constant 9.99999996E-13 : f32
    %add3A_90 = vector.broadcast %add3A_89 : f32 to vector<1024x1xf32>
    %add3A_91 = arith.addf %div3A_88, %add3A_90 : vector<1024x1xf32>
    %rsqrt3A_92 = math.rsqrt %add3A_91 : vector<1024x1xf32>
    %mul3A_93 = vector.broadcast %rsqrt3A_92 : vector<1024x1xf32> to vector<1024x768xf32>
    %mul3A_94 = arith.mulf %sub3A_81, %mul3A_93 : vector<1024x768xf32>
    %get3A_95 = arith.constant 0 : index
    %get3A_96 = arith.constant 0 : index
    %get3A_97 = vector.load %arg10[%get3A_95, %get3A_96] : memref<1x768xf32, #tpu.memory_space<vmem>>, vector<1x768xf32>
    %mul3A_98 = vector.broadcast %get3A_97 : vector<1x768xf32> to vector<1024x768xf32>
    %mul3A_99 = arith.mulf %mul3A_94, %mul3A_98 : vector<1024x768xf32>
    %get3A_100 = arith.constant 0 : index
    %get3A_101 = arith.constant 0 : index
    %get3A_102 = vector.load %arg11[%get3A_100, %get3A_101] : memref<1x768xf32, #tpu.memory_space<vmem>>, vector<1x768xf32>
    %add3A_103 = vector.broadcast %get3A_102 : vector<1x768xf32> to vector<1024x768xf32>
    %add3A_104 = arith.addf %mul3A_99, %add3A_103 : vector<1024x768xf32>
    %swap3A_105 = arith.constant 0 : index
    %swap3A_106 = arith.constant 0 : index
    %swap3A_107 = vector.load %arg13[%swap3A_105, %swap3A_106] : memref<1024x768xf32, #tpu.memory_space<vmem>>, vector<1024x768xf32>
    tpu.vector_store %arg13[%swap3A_105, %swap3A_106], %add3A_104 {strides = array<i32>} : memref<1024x768xf32, #tpu.memory_space<vmem>>, vector<1024x768xf32>,
    return
  }
  func.func @transform_0(%arg0: i32, %arg1: i32) -> (i32, i32, i32) {
    %mul3A = arith.constant 2 : i32
    %mul3A_0 = arith.muli %arg1, %mul3A : i32
    %add3A = arith.addi %mul3A_0, %arg0 : i32
    %c0_i32 = arith.constant 0 : i32
    %c0_i32_1 = arith.constant 0 : i32
    %c0_i32_2 = arith.constant 0 : i32
    return %add3A, %c0_i32, %c0_i32_1 : i32, i32, i32
  }
  func.func @transform_1(%arg0: i32, %arg1: i32) -> (i32, i32, i32) {
    %mul3A = arith.constant 2 : i32
    %mul3A_0 = arith.muli %arg1, %mul3A : i32
    %add3A = arith.addi %mul3A_0, %arg0 : i32
    %c0_i32 = arith.constant 0 : i32
    %c0_i32_1 = arith.constant 0 : i32
    %c0_i32_2 = arith.constant 0 : i32
    return %add3A, %c0_i32, %c0_i32_1 : i32, i32, i32
  }
  func.func @transform_2(%arg0: i32, %arg1: i32) -> (i32, i32) {
    %c0_i32 = arith.constant 0 : i32
    %c0_i32_0 = arith.constant 0 : i32
    %c0_i32_1 = arith.constant 0 : i32
    return %c0_i32, %c0_i32_0 : i32, i32
  }
  func.func @transform_3(%arg0: i32, %arg1: i32) -> (i32, i32) {
    %c0_i32 = arith.constant 0 : i32
    %c0_i32_0 = arith.constant 0 : i32
    return %arg0, %c0_i32 : i32, i32
  }
  func.func @transform_4(%arg0: i32, %arg1: i32) -> (i32, i32) {
    %mul3A = arith.constant 2 : i32
    %mul3A_0 = arith.muli %arg1, %mul3A : i32
    %add3A = arith.addi %mul3A_0, %arg0 : i32
    %c0_i32 = arith.constant 0 : i32
    %c0_i32_1 = arith.constant 0 : i32
    return %add3A, %c0_i32 : i32, i32
  }
  func.func @transform_5(%arg0: i32, %arg1: i32) -> (i32, i32) {
    %mul3A = arith.constant 2 : i32
    %mul3A_0 = arith.muli %arg1, %mul3A : i32
    %add3A = arith.addi %mul3A_0, %arg0 : i32
    %c0_i32 = arith.constant 0 : i32
    %c0_i32_1 = arith.constant 0 : i32
    return %add3A, %c0_i32 : i32, i32
  }
  func.func @transform_6(%arg0: i32, %arg1: i32) -> (i32, i32) {
    %c0_i32 = arith.constant 0 : i32
    %c0_i32_0 = arith.constant 0 : i32
    %c0_i32_1 = arith.constant 0 : i32
    return %c0_i32, %c0_i32_0 : i32, i32
  }
  func.func @transform_7(%arg0: i32, %arg1: i32) -> (i32, i32) {
    %c0_i32 = arith.constant 0 : i32
    %c0_i32_0 = arith.constant 0 : i32
    %c0_i32_1 = arith.constant 0 : i32
    return %c0_i32, %c0_i32_0 : i32, i32
  }
  func.func @transform_8(%arg0: i32, %arg1: i32) -> (i32, i32) {
    %c0_i32 = arith.constant 0 : i32
    %c0_i32_0 = arith.constant 0 : i32
    %c0_i32_1 = arith.constant 0 : i32
    return %c0_i32, %c0_i32_0 : i32, i32
  }
  func.func @transform_9(%arg0: i32, %arg1: i32) -> (i32, i32) {
    %c0_i32 = arith.constant 0 : i32
    %c0_i32_0 = arith.constant 0 : i32
    %c0_i32_1 = arith.constant 0 : i32
    return %c0_i32, %c0_i32_0 : i32, i32
  }
  func.func @transform_10(%arg0: i32, %arg1: i32) -> (i32, i32) {
    %mul3A = arith.constant 2 : i32
    %mul3A_0 = arith.muli %arg1, %mul3A : i32
    %add3A = arith.addi %mul3A_0, %arg0 : i32
    %c0_i32 = arith.constant 0 : i32
    %c0_i32_1 = arith.constant 0 : i32
    return %add3A, %c0_i32 : i32, i32
  }
  func.func @transform_11(%arg0: i32, %arg1: i32) -> (i32, i32) {
    %mul3A = arith.constant 2 : i32
    %mul3A_0 = arith.muli %arg1, %mul3A : i32
    %add3A = arith.addi %mul3A_0, %arg0 : i32
    %c0_i32 = arith.constant 0 : i32
    %c0_i32_1 = arith.constant 0 : i32
    return %add3A, %c0_i32 : i32, i32
  }
}

</mosaic_0001>

<sc_bundles>
// kernel: _run.4.cloned.1.call-start
scs
__scs_entry_jumppad:
0x0: {  	(pc) =	sbr.rel $0x88, $3  }
0x1: {  	(tag) =	ssettag $0x0;
	lr =	simm.s32 $0x1  }
0x2: {  	[smem:$0x3F95] =	sst lr;
	_ =	strace $0xD0000000  }
0x3: {  	_ = 	snop  }
0x4: {  	_ = 	snop  }
0x5: {  	_ = 	snop  }
0x6: {  	_ = 	snop  }
0x7: {  	_ = 	snop  }
__scs_overlays_trampoline_lowered:
0x8: {  	[smem:$0x3FA4] =	sst s0  }
0x9: {  	[smem:$0x3FA5] =	sst s1  }
0xa: {  	[smem:$0x3FA6] =	sst s2  }
0xb: {  	[smem:$0x3FA7] =	sst s3  }
0xc: {  	[smem:$0x3FA8] =	sst s4  }
0xd: {  	[smem:$0x3FA9] =	sst s5  }
0xe: {  	[smem:$0x3FAA] =	sst s6  }
0xf: {  	[smem:$0x3FAB] =	sst s7  }
0x10: {  	[smem:$0x3FAC] =	sst s8  }
0x11: {  	[smem:$0x3FAD] =	sst s9;
	s0 =	simm.s32 @!p0 $0x0  }
0x12: {  	s1 =	sld [smem:$0x3F93];
	s0 =	simm.s32 @p0 $0x1  }
0x13: {  	[smem:$0x3FAE] =	sst s0;
	s0 =	simm.s32 @!p1 $0x0  }
0x14: {  	s2 =	sld [smem:$0x3F92];
	s0 =	simm.s32 @p1 $0x1  }
0x15: {  	[smem:$0x3FAF] =	sst s0;
	s0 =	simm.s32 @!p2 $0x0  }
0x16: {  	s3 =	sld [smem:$0x3FDB];
	s0 =	simm.s32 @p2 $0x1  }
0x17: {  	s4 =	simm.s32 $0x1BF5;
	[smem:$0x3FB1] =	sst s0  }
0x18: {  	s0 =	sld [smem:$0x3F94];
	_ =	swait.ge [sflag:s4], $0x0  }
0x19: {  	s7 =	sld [smem:$0x3F95]  }
0x1a: {  	s8 =	sadd.s32 $0xFFFFE003, lr  }
0x1b: {  	s9 =	sadd.s32 $0xFFFFFEF7, lr;
	s5 =	simm.s32 $0xFFFFFFFF;
	p2 =	slt.u32 s8, $0xFFFFF086  }
0x1c: {  	p1 =	slt.u32 s9, $0xF7A;
	s5 =	simm.s32 @!p2 $0x0  }
0x1d: {  	s5 =	simm.s32 @p1 $0x1;
	p0 =	seq.s32 s7, s2  }
0x1e: {  	s7 =	smul.u32 @!p0 $0xF7A, s2;
	p2 =	seq.s32 @!p0 s5, $0x0  }
0x1f: {  	s9 =	smul.u32 $0xF7A, s1;
	s8 =	simm.s32 @!p0 $0x1BF5;
	p2 =	por !p2, p0  }
0x20: {  	[sflag:s8] =	ssyncset.s32 @!p0 $0xFFFFF086;
	s6 =	sadd.s32 @!p0 s3, s7;
	s7 =	simm.s32 @!p0 $0x108  }
0x21: {  	s3 =	sadd.s32 s3, s9;
	s6 =	sadd.s32 @!p0 $0x88, s6;
	s7 =	simm.s32 @p2 $0x1082  }
0x22: {  	[simem:s7], [sflag:s8] =	dma.local @!p0 [hbm:s6], $0xF7A  }
0x23: {  	s9 =	sor.u32 $0xD0000000, s2;
	s6 =	simm.s32 $0x108;
	_ =	swait.ge @!p0 [sflag:s8], $0x0  }
0x24: {  	s3 =	sadd.s32 $0x88, s3;
	s6 =	simm.s32 @!p1 $0x1082;
	[sflag:s4] =	ssyncset.s32 $0xFFFFF086  }
0x25: {  	[simem:s6], [sflag:s4] =	dma.local [hbm:s3], $0xF7A  }
0x26: {  	[smem:$0x3F95] =	sst s1;
	(tag) =	ssettag s2;
	_ =	strace s9  }
0x27: {  	s1 =	sld [smem:$0x3FA5]  }
0x28: {  	s2 =	sld [smem:$0x3FA6]  }
0x29: {  	s4 =	sld [smem:$0x3FA8]  }
0x2a: {  	p0 =	seq.s32 s5, $0x0;
	s5 =	sld [smem:$0x3FA9]  }
0x2b: {  	s6 =	sld [smem:$0x3FAA]  }
0x2c: {  	s7 =	sld [smem:$0x3FAB]  }
0x2d: {  	s3 =	simm.s32 $0x108;
	s8 =	sld [smem:$0x3FAC]  }
0x2e: {  	s3 =	simm.s32 @!p0 $0x1082;
	s9 =	sld [smem:$0x3FAD]  }
0x2f: {  	lr =	sadd.s32 s0, s3;
	s0 =	sld [smem:$0x3FA4]  }
0x30: {  	s3 =	sld [smem:$0x3FA7]  }
0x31: {  	[smem:$0x3FB0] =	sst s10  }
0x32: {  	s10 =	sld [smem:$0x3FAE];
	_ =	sdelay $0x3  }
0x33: {  	p0 =	seq.s32 s10, $0x1;
	s10 =	sld [smem:$0x3FB0];
	_ =	sdelay $0x3  }
0x34: {  	[smem:$0x3FB0] =	sst s10  }
0x35: {  	s10 =	sld [smem:$0x3FAF];
	_ =	sdelay $0x3  }
0x36: {  	p1 =	seq.s32 s10, $0x1;
	s10 =	sld [smem:$0x3FB0];
	_ =	sdelay $0x3  }
0x37: {  	[smem:$0x3FB0] =	sst s10  }
0x38: {  	s10 =	sld [smem:$0x3FB1]  }
0x39: {  	_ = 	snop;
	(pc) =	sbr.ind lr, $3  }
0x3a: {  	_ = 	snop  }
0x3b: {  	_ = 	snop  }
0x3c: {  	p2 =	seq.s32 s10, $0x1;
	s10 =	sld [smem:$0x3FB0]  }
0x3d: {  	_ =	shalt  }
0x3e: {  	_ =	shalt  }
0x3f: {  	_ =	shalt  }
0x40: {  	_ =	shalt  }
0x41: {  	_ =	shalt  }
0x42: {  	_ =	shalt  }
0x43: {  	_ =	shalt  }
0x44: {  	_ =	shalt  }
0x45: {  	_ =	shalt  }
0x46: {  	_ =	shalt  }
0x47: {  	_ =	shalt  }
0x48: {  	_ =	shalt  }
0x49: {  	_ =	shalt  }
0x4a: {  	_ =	shalt  }
0x4b: {  	_ =	shalt  }
0x4c: {  	_ =	shalt  }
0x4d: {  	_ =	shalt  }
0x4e: {  	_ =	shalt  }
0x4f: {  	_ =	shalt  }
0x50: {  	_ =	shalt  }
0x51: {  	_ =	shalt  }
0x52: {  	_ =	shalt  }
0x53: {  	_ =	shalt  }
0x54: {  	_ =	shalt  }
0x55: {  	_ =	shalt  }
0x56: {  	_ =	shalt  }
0x57: {  	_ =	shalt  }
0x58: {  	_ =	shalt  }
0x59: {  	_ =	shalt  }
0x5a: {  	_ =	shalt  }
0x5b: {  	_ =	shalt  }
0x5c: {  	_ =	shalt  }
0x5d: {  	_ =	shalt  }
0x5e: {  	_ =	shalt  }
0x5f: {  	_ =	shalt  }
0x60: {  	_ =	shalt  }
0x61: {  	_ =	shalt  }
0x62: {  	_ =	shalt  }
0x63: {  	_ =	shalt  }
0x64: {  	_ =	shalt  }
0x65: {  	_ =	shalt  }
0x66: {  	_ =	shalt  }
0x67: {  	_ =	shalt  }
0x68: {  	_ =	shalt  }
0x69: {  	_ =	shalt  }
0x6a: {  	_ =	shalt  }
0x6b: {  	_ =	shalt  }
0x6c: {  	_ =	shalt  }
0x6d: {  	_ =	shalt  }
0x6e: {  	_ =	shalt  }
0x6f: {  	_ =	shalt  }
0x70: {  	_ =	shalt  }
0x71: {  	_ =	shalt  }
0x72: {  	_ =	shalt  }
0x73: {  	_ =	shalt  }
0x74: {  	_ =	shalt  }
0x75: {  	_ =	shalt  }
0x76: {  	_ =	shalt  }
0x77: {  	_ =	shalt  }
0x78: {  	_ =	shalt  }
0x79: {  	_ =	shalt  }
0x7a: {  	_ =	shalt  }
0x7b: {  	_ =	shalt  }
0x7c: {  	_ =	shalt  }
0x7d: {  	_ =	shalt  }
0x7e: {  	_ =	shalt  }
0x7f: {  	_ =	shalt  }
0x80: {  	_ =	shalt  }
0x81: {  	_ =	shalt  }
0x82: {  	_ =	shalt  }
0x83: {  	_ =	shalt  }
0x84: {  	_ =	shalt  }
0x85: {  	_ =	shalt  }
0x86: {  	_ =	shalt  }
0x87: {  	_ =	shalt  }
.Lfunc_end0:
.L_simem_size_0:
called_computation_lowered:
.L_overlay_start_0:
0x88: {  	s2 =	sld [smem:$0x3FD9]  }
0x89: {  	s3 =	sld [smem:$0x3FFE];
	_ =	sdelay $0x1  }
0x8a: {  	s1 =	srdreg.scid  }
0x8b: {  	s0 =	sand.u32 $0x1, s1  }
0x8c: {  	s17 =	sshll.u32 s0, $0xA;
	s2 =	sadd.s32 s3, s2  }
0x8d: {  	s2 =	sadd.s32 s2, s17  }
0x8e: {  	[smem:$0x3FBC] =	sst s2  }
0x8f: {  	_ = 	snop  }
0x90: {  	s2 =	sld [smem:$0x3FC9]  }
0x91: {  	s18 =	sld [smem:$0x3FC8]  }
0x92: {  	s4 =	sld [smem:$0x3FC5]  }
0x93: {  	s5 =	sld [smem:$0x3FC4];
	(tm) =	ssettm $0x1  }
0x94: {  	s6 =	sld [smem:$0x3FFB];
	_ =	sdelay $0x3  }
0x95: {  	_ =	strace s6  }
0x96: {  	s6 =	sld [smem:$0x3FFC];
	_ =	sdelay $0x3  }
0x97: {  	_ =	strace s6  }
0x98: {  	s6 =	sld [smem:$0x3FFD];
	_ =	sdelay $0x3  }
0x99: {  	_ =	strace s6  }
0x9a: {  	_ =	strace $0x8FFFFFFF  }
0x9b: {  	s19 =	sld [smem:$0x3FDB];
	_ =	sdelay $0x1  }
0x9c: {  	s7 =	simm.s32 $_scs_section_size  }
0x9d: {  	s8 =	simm.s32 $_size__tile_overlayer_lowered;
	s9 =	simm.s32 $_tile_overlayer_lowered  }
0x9e: {  	s22 =	simm.s32 $0x1BFF;
	s21 =	sshll.u32 s9, $0x1;
	s6 =	sadd.s32 s7, s19  }
0x9f: {  	s10 =	simm.s32 $0x0;
	s20 =	sshll.u32 s8, $0x1;
	s8 =	sadd.s32 s21, s6  }
0xa0: {  	[timem:s10], [sflag:s22] =	dma.local [hbm:s8], s20  }
0xa1: {  	_ =	swait.ge [sflag:s22], s20  }
0xa2: {  	s7 =	ssub.s32 $0x0, s20;
	[sflag:s22] =	ssyncset.done $0x0  }
0xa3: {  	[sflag:s22] =	ssyncadd.s32 s7;
	_ =	sdelay $0x1  }
0xa4: {  	s23 =	simm.s32 $0x1B8B  }
0xa5: {  	_ =	swait.ge [sflag:s23], $0x1  }
0xa6: {  	[sflag:s23] =	ssyncset.done $0x0  }
0xa7: {  	s25 =	simm.s32 $0x1B8E;
	s24 =	sld [smem:$0x3FFE];
	[sflag:s23] =	ssyncadd.s32 $0xFFFFFFFF  }
0xa8: {  	s26 =	simm.s32 $execute0_lowered;
	[smem:$0x3FD2] =	sst s25  }
0xa9: {  	s8 =	sshll.u32 s26, $0x1;
	_ =	strace $0x80000046;
	[dreg:$0x1] =	wrdreg $0xFFFFFFFF  }
0xaa: {  	s28 =	simm.s32 $_size_execute0_lowered;
	s6 =	sadd.s32 s6, s8;
	[dreg:$0x0] =	wrdreg $0x0  }
0xab: {  	s8 =	sshll.u32 s28, $0x1;
	[dreg:$0x2] =	wrdreg s6  }
0xac: {  	[dreg:$0x3] =	wrdreg s8  }
0xad: {  	[dreg:$0x4] =	wrdreg $0xC0  }
0xae: {  	_ =	task [dreg:s10], $0x5FFFF  }
0xaf: {  	[dreg:$0x1] =	wrdreg $0xFFFFFFFF  }
0xb0: {  	[dreg:$0x0] =	wrdreg $0x60  }
0xb1: {  	[dreg:$0x2] =	wrdreg s2  }
0xb2: {  	[dreg:$0x3] =	wrdreg s18  }
0xb3: {  	[dreg:$0x4] =	wrdreg s4  }
0xb4: {  	[dreg:$0x5] =	wrdreg s5  }
0xb5: {  	[dreg:$0x6] =	wrdreg s24  }
0xb6: {  	[dreg:$0x7] =	wrdreg $0x9  }
0xb7: {  	_ =	task.clear_ibuf [dreg:s10], $0x8FFFF;
	_ =	strace $0x90000046  }
0xb8: {  	s29 =	simm.s32 $0x9;
	_ =	strace $0x80000048  }
0xb9: {  	_ =	swait.ge [sflag:s29], $0x1  }
0xba: {  	[sflag:s29] =	ssyncadd.s32 $0xFFFFFFFF  }
0xbb: {  	_ =	strace $0x90000048  }
0xbc: {  	_ =	sfence  }
0xbd: {  	s30 =	sld [smem:$0x0];
	_ =	sdelay $0x2  }
0xbe: {  	s31 =	sshll.u32 s1, $0xD;
	s1 =	sshrl.u32 s1, $0x2  }
0xbf: {  	s3 =	sand.u32 $0x4000, s31;
	s1 =	sadd.s32 s1, s30  }
0xc0: {  	s0 =	sor.u32 s3, s0;
	s1 =	sshll.u32 s1, $0x11  }
0xc1: {  	s0 =	sor.u32 s1, s0  }
0xc2: {  	s0 =	sadd.s32 $0x8F2B, s0  }
0xc3: {  	[sflag:s0] =	ssyncadd.remote.s32 $0x1  }
0xc4: {  	_ =	sfence.sel $0xFFFF  }
0xc5: {  	[dreg:$0x0] =	wrdreg $0xFFFFFFFF;
	(pc) =	sbr.abs _section_cstart, $3  }
0xc6: {  	[dreg:$0x1] =	wrdreg $0xFFFFFFFF  }
0xc7: {  	_ =	task.clear_ibuf [dreg:s10], $0x2FFFF;
	_ =	strace $0x9FFFFFFF  }
0xc8: {  	(tm) =	ssettm $0x7FFFFFFF  }
0xc9: {  	_ =	shalt  }
tec
execute0_lowered:
.L_overlay_start_1:
0x0: {  	(tag) =	ssettag $0x1  }
0x1: {  	s0 =	rddreg [dreg:$0x0]  }
0x2: {  	s2 =	rddreg [dreg:$0x1]  }
0x3: {  	s1 =	rddreg [dreg:$0x2]  }
0x4: {  	s4 =	srdreg.scid;
	s3 =	rddreg [dreg:$0x3]  }
0x5: {  	s7 =	stileid.u32;
	s6 =	rddreg [dreg:$0x4]  }
0x6: {  	s29 =	simm.s32 $0x100;
	s30 =	simm.s32 $0x80;
	s31 =	simm.s32 $0x180  }
0x7: {  	s5 =	sand.u32 $0x1, s4;
	s7 =	sshll.u32 s7, $0x6;
	s4 =	simm.s32 $0x0  }
0x8: {  	s10 =	sadd.s32 $0x1800, s6;
	s6 =	sadd.s32 $0xC1800, s6;
	[smem:$0x7FF] =	sst s4  }
0x9: {  	s8 =	sshll.u32 s5, $0x5;
	_ =	strace $0x80000047;
	[dreg:$0xf] =	wrdreg s29  }
0xa: {  	s5 =	ssub.s32 $0x2, s5;
	s7 =	sor.u32 s8, s7;
	[dreg:$0x10] =	wrdreg s30  }
0xb: {  	s11 =	sshrl.u32 s5, $0x1;
	[dreg:$0x11] =	wrdreg s31;
	s8 =	smul.u32 $0x300, s7  }
0xc: {  	s9 =	smul.u32 $0x1800, s7;
	s5 =	ssub.s32 s5, s11;
	s2 =	sadd.s32 s2, s7  }
0xd: {  	s22 =	sadd.s32 s0, s7;
	s7 =	sadd.s32 $0x100, s1;
	[dreg:$0x13] =	wrdreg s2  }
0xe: {  	[dreg:$0x12] =	wrdreg s22;
	s28 =	sadd.s32 $0x10, s22;
	s11 =	smax.u32 s5, $0x1  }
0xf: {  	s12 =	sadd.s32 s10, s8;
	s13 =	sor.u32 $0x1800, s8;
	[dreg:$0xe] =	wrdreg s28  }
0x10: {  	s9 =	sshrl.u32 s9, $0x3;
	s23 =	sadd.s32 s6, s8;
	[dreg:$0x6] =	wrdreg s12  }
0x11: {  	s8 =	sadd.s32 $0x200, s1;
	s20 =	sadd.s32 s10, s13;
	[dreg:$0xa] =	wrdreg s23  }
0x12: {  	s14 =	sadd.s32 $0x3000, s9;
	s24 =	sadd.s32 s6, s13;
	[dreg:$0x7] =	wrdreg s20  }
0x13: {  	s9 =	sadd.s32 $0x4800, s9;
	s21 =	sadd.s32 s10, s14;
	[dreg:$0xb] =	wrdreg s24  }
0x14: {  	s12 =	simm.s32 $0x3;
	s10 =	sadd.s32 s10, s9;
	[dreg:$0x8] =	wrdreg s21  }
0x15: {  	v2 =	vlaneseq.u32;
	s25 =	sadd.s32 s6, s14;
	s26 =	sadd.s32 s6, s9;
	[dreg:$0x9] =	wrdreg s10  }
0x16: {  	vm0 =	vmmov $0xffff;
	v1 =	vshrl.u32 v2, $0x3;
	s9 =	sadd.s32 $0x100, s3;
	s20 =	simm.s32 $0x1;
	[dreg:$0xc] =	wrdreg s25  }
0x17: {  	v0 =	vand.u32 $0x7, v2;
	v2 =	vor.u32 $0x8, v2;
	v1 =	vmul.u32 $0x8, v1;
	[dreg:$0xd] =	wrdreg s26;
	s10 =	sadd.s32 $0x200, s3;
	s21 =	simm.s32 $0x2  }
.LBB2_1:
0x18: {  	s22 =	rddreg [dreg:$0xe]  }
0x19: {  	s24 =	rddreg [dreg:$0x12]  }
0x1a: {  	[tilespmem:s4], [sflag:$0x3] =	stream.linear.gather [hbm4b:s24+s4], $0x80, $0x38;
	[tilespmem:$0x18200] =	vst v63  }
0x1b: {  	s23 =	rddreg [dreg:$0xf]  }
0x1c: {  	[tilespmem:s23], [sflag:$0x3] =	stream.linear.gather [hbm4b:s22+s4], $0x80, $0x38;
	[tilespmem:$0x18200] =	vst v63  }
0x1d: {  	_ =	swait.ge [sflag:s12], $0x100  }
0x1e: {  	s2 =	rddreg [dreg:$0x10];
	[sflag:s12] =	ssyncset.done $0x0  }
0x1f: {  	s6 =	rddreg [dreg:$0x13];
	[sflag:s12] =	ssyncadd.s32 $0xFFFFFF00  }
0x20: {  	[tilespmem:s2], [sflag:$0x3] =	stream.linear.gather [hbm4b:s6+s4], $0x80, $0x38;
	[tilespmem:$0x18200] =	vst v63  }
0x21: {  	s5 =	rddreg [dreg:$0x11];
	s13 =	sadd.s32 $0x10, s6  }
0x22: {  	[tilespmem:s5], [sflag:$0x3] =	stream.linear.gather [hbm4b:s13+s4], $0x80, $0x38;
	[tilespmem:$0x18200] =	vst v63  }
0x23: {  	_ =	swait.ge [sflag:s12], $0x100  }
0x24: {  	[sflag:s12] =	ssyncset.done $0x0  }
0x25: {  	[sflag:s12] =	ssyncadd.s32 $0xFFFFFF00  }
0x26: {  	v3 =	vld [tilespmem:$0x0];
	_ =	sdelay $0x4  }
0x27: {  	v4 =	vshrl.u32 v3, $0x3  }
0x28: {  	v4 =	vmul.u32 $0x30, v4  }
0x29: {  	v3 =	vand.u32 $0x7, v3  }
0x2a: {  	v3 =	vor.u32 v3, v4  }
0x2b: {  	v4 =	vperm.xlane v3, v0;
	_ =	sdelay $0x1  }
0x2c: {  	v4 =	vadd.s32 v1, v4;
	_ =	sdelay $0x3  }
0x2d: {  	s24 =	simm.s32 $0x200;
	v3 =	vperm.xlane v3, v2  }
0x2e: {  	[tilespmem:s24], [sflag:$0x1] =	stream.indirect_vreg.gather [hbm4b:s1+s4], $0x80, v4, vm0, $0xb8;
	[tilespmem:$0x18200] =	vst v63  }
0x2f: {  	s0 =	simm.s32 $0xA00;
	v3 =	vadd.s32 v1, v3  }
0x30: {  	[tilespmem:s0], [sflag:$0x1] =	stream.indirect_vreg.gather [hbm4b:s7+s4], $0x80, v4, vm0, $0xb8;
	[tilespmem:$0x18200] =	vst v63  }
0x31: {  	s14 =	simm.s32 $0x1200  }
0x32: {  	[tilespmem:s14], [sflag:$0x1] =	stream.indirect_vreg.gather [hbm4b:s8+s4], $0x80, v4, vm0, $0xb8;
	[tilespmem:$0x18200] =	vst v63  }
0x33: {  	s15 =	simm.s32 $0x1A00  }
0x34: {  	[tilespmem:s15], [sflag:$0x1] =	stream.indirect_vreg.gather [hbm4b:s1+s4], $0x80, v3, vm0, $0xb8;
	[tilespmem:$0x18200] =	vst v63  }
0x35: {  	s16 =	simm.s32 $0x2200  }
0x36: {  	[tilespmem:s16], [sflag:$0x1] =	stream.indirect_vreg.gather [hbm4b:s7+s4], $0x80, v3, vm0, $0xb8;
	[tilespmem:$0x18200] =	vst v63  }
0x37: {  	s17 =	simm.s32 $0x2A00  }
0x38: {  	[tilespmem:s17], [sflag:$0x1] =	stream.indirect_vreg.gather [hbm4b:s8+s4], $0x80, v3, vm0, $0xb8;
	[tilespmem:$0x18200] =	vst v63  }
0x39: {  	v3 =	vld [tilespmem:$0x10];
	_ =	sdelay $0x4  }
0x3a: {  	v33 =	vshrl.u32 v3, $0x3  }
0x3b: {  	v4 =	vmul.u32 $0x30, v33  }
0x3c: {  	v3 =	vand.u32 $0x7, v3  }
0x3d: {  	v3 =	vor.u32 v3, v4  }
0x3e: {  	v4 =	vperm.xlane v3, v0;
	_ =	sdelay $0x1  }
0x3f: {  	v4 =	vadd.s32 v1, v4;
	_ =	sdelay $0x3  }
0x40: {  	s18 =	simm.s32 $0x3200;
	v3 =	vperm.xlane v3, v2  }
0x41: {  	[tilespmem:s18], [sflag:$0x1] =	stream.indirect_vreg.gather [hbm4b:s1+s4], $0x80, v4, vm0, $0xb8;
	[tilespmem:$0x18200] =	vst v63  }
0x42: {  	s19 =	simm.s32 $0x3A00;
	v3 =	vadd.s32 v1, v3  }
0x43: {  	[tilespmem:s19], [sflag:$0x1] =	stream.indirect_vreg.gather [hbm4b:s7+s4], $0x80, v4, vm0, $0xb8;
	[tilespmem:$0x18200] =	vst v63  }
0x44: {  	s22 =	simm.s32 $0x4200  }
0x45: {  	[tilespmem:s22], [sflag:$0x1] =	stream.indirect_vreg.gather [hbm4b:s8+s4], $0x80, v4, vm0, $0xb8;
	[tilespmem:$0x18200] =	vst v63  }
0x46: {  	s23 =	simm.s32 $0x4A00  }
0x47: {  	[tilespmem:s23], [sflag:$0x1] =	stream.indirect_vreg.gather [hbm4b:s1+s4], $0x80, v3, vm0, $0xb8;
	[tilespmem:$0x18200] =	vst v63  }
0x48: {  	s25 =	simm.s32 $0x5200  }
0x49: {  	[tilespmem:s25], [sflag:$0x1] =	stream.indirect_vreg.gather [hbm4b:s7+s4], $0x80, v3, vm0, $0xb8;
	[tilespmem:$0x18200] =	vst v63  }
0x4a: {  	s26 =	simm.s32 $0x5A00  }
0x4b: {  	[tilespmem:s26], [sflag:$0x1] =	stream.indirect_vreg.gather [hbm4b:s8+s4], $0x80, v3, vm0, $0xb8;
	[tilespmem:$0x18200] =	vst v63  }
0x4c: {  	v3 =	vld [tilespmem:$0x20];
	_ =	sdelay $0x4  }
0x4d: {  	v34 =	vshrl.u32 v3, $0x3  }
0x4e: {  	v4 =	vmul.u32 $0x30, v34  }
0x4f: {  	v3 =	vand.u32 $0x7, v3  }
0x50: {  	v3 =	vor.u32 v3, v4  }
0x51: {  	v4 =	vperm.xlane v3, v0;
	_ =	sdelay $0x1  }
0x52: {  	v4 =	vadd.s32 v1, v4;
	_ =	sdelay $0x3  }
0x53: {  	s28 =	simm.s32 $0x6200;
	v3 =	vperm.xlane v3, v2  }
0x54: {  	[tilespmem:s28], [sflag:$0x1] =	stream.indirect_vreg.gather [hbm4b:s1+s4], $0x80, v4, vm0, $0xb8;
	[tilespmem:$0x18200] =	vst v63  }
0x55: {  	s29 =	simm.s32 $0x6A00;
	v3 =	vadd.s32 v1, v3  }
0x56: {  	[tilespmem:s29], [sflag:$0x1] =	stream.indirect_vreg.gather [hbm4b:s7+s4], $0x80, v4, vm0, $0xb8;
	[tilespmem:$0x18200] =	vst v63  }
0x57: {  	s30 =	simm.s32 $0x7200  }
0x58: {  	[tilespmem:s30], [sflag:$0x1] =	stream.indirect_vreg.gather [hbm4b:s8+s4], $0x80, v4, vm0, $0xb8;
	[tilespmem:$0x18200] =	vst v63  }
0x59: {  	s31 =	simm.s32 $0x7A00  }
0x5a: {  	[tilespmem:s31], [sflag:$0x1] =	stream.indirect_vreg.gather [hbm4b:s1+s4], $0x80, v3, vm0, $0xb8;
	[tilespmem:$0x18200] =	vst v63  }
0x5b: {  	s2 =	simm.s32 $0x8200  }
0x5c: {  	[tilespmem:s2], [sflag:$0x1] =	stream.indirect_vreg.gather [hbm4b:s7+s4], $0x80, v3, vm0, $0xb8;
	[tilespmem:$0x18200] =	vst v63  }
0x5d: {  	s15 =	simm.s32 $0x8A00  }
0x5e: {  	[tilespmem:s15], [sflag:$0x1] =	stream.indirect_vreg.gather [hbm4b:s8+s4], $0x80, v3, vm0, $0xb8;
	[tilespmem:$0x18200] =	vst v63  }
0x5f: {  	v3 =	vld [tilespmem:$0x30];
	_ =	sdelay $0x4  }
0x60: {  	v35 =	vshrl.u32 v3, $0x3  }
0x61: {  	v4 =	vmul.u32 $0x30, v35  }
0x62: {  	v3 =	vand.u32 $0x7, v3  }
0x63: {  	v3 =	vor.u32 v3, v4  }
0x64: {  	v4 =	vperm.xlane v3, v0;
	_ =	sdelay $0x1  }
0x65: {  	v4 =	vadd.s32 v1, v4;
	_ =	sdelay $0x3  }
0x66: {  	s16 =	simm.s32 $0x9200;
	v3 =	vperm.xlane v3, v2  }
0x67: {  	[tilespmem:s16], [sflag:$0x1] =	stream.indirect_vreg.gather [hbm4b:s1+s4], $0x80, v4, vm0, $0xb8;
	[tilespmem:$0x18200] =	vst v63  }
0x68: {  	s17 =	simm.s32 $0x9A00;
	v3 =	vadd.s32 v1, v3  }
0x69: {  	[tilespmem:s17], [sflag:$0x1] =	stream.indirect_vreg.gather [hbm4b:s7+s4], $0x80, v4, vm0, $0xb8;
	[tilespmem:$0x18200] =	vst v63  }
0x6a: {  	s18 =	simm.s32 $0xA200  }
0x6b: {  	[tilespmem:s18], [sflag:$0x1] =	stream.indirect_vreg.gather [hbm4b:s8+s4], $0x80, v4, vm0, $0xb8;
	[tilespmem:$0x18200] =	vst v63  }
0x6c: {  	s19 =	simm.s32 $0xAA00  }
0x6d: {  	[tilespmem:s19], [sflag:$0x1] =	stream.indirect_vreg.gather [hbm4b:s1+s4], $0x80, v3, vm0, $0xb8;
	[tilespmem:$0x18200] =	vst v63  }
0x6e: {  	s22 =	simm.s32 $0xB200  }
0x6f: {  	[tilespmem:s22], [sflag:$0x1] =	stream.indirect_vreg.gather [hbm4b:s7+s4], $0x80, v3, vm0, $0xb8;
	[tilespmem:$0x18200] =	vst v63  }
0x70: {  	s23 =	simm.s32 $0xBA00  }
0x71: {  	[tilespmem:s23], [sflag:$0x1] =	stream.indirect_vreg.gather [hbm4b:s8+s4], $0x80, v3, vm0, $0xb8;
	[tilespmem:$0x18200] =	vst v63  }
0x72: {  	v3 =	vld [tilespmem:$0x40];
	_ =	sdelay $0x4  }
0x73: {  	v36 =	vshrl.u32 v3, $0x3  }
0x74: {  	v4 =	vmul.u32 $0x30, v36  }
0x75: {  	v3 =	vand.u32 $0x7, v3  }
0x76: {  	v3 =	vor.u32 v3, v4  }
0x77: {  	v4 =	vperm.xlane v3, v0;
	_ =	sdelay $0x1  }
0x78: {  	v4 =	vadd.s32 v1, v4;
	_ =	sdelay $0x3  }
0x79: {  	s23 =	simm.s32 $0xC200;
	v3 =	vperm.xlane v3, v2  }
0x7a: {  	[tilespmem:s23], [sflag:$0x2] =	stream.indirect_vreg.gather [hbm4b:s1+s4], $0x80, v4, vm0, $0xb8;
	[tilespmem:$0x18200] =	vst v63  }
0x7b: {  	s25 =	simm.s32 $0xCA00;
	v3 =	vadd.s32 v1, v3  }
0x7c: {  	[tilespmem:s25], [sflag:$0x2] =	stream.indirect_vreg.gather [hbm4b:s7+s4], $0x80, v4, vm0, $0xb8;
	[tilespmem:$0x18200] =	vst v63  }
0x7d: {  	s26 =	simm.s32 $0xD200  }
0x7e: {  	[tilespmem:s26], [sflag:$0x2] =	stream.indirect_vreg.gather [hbm4b:s8+s4], $0x80, v4, vm0, $0xb8;
	[tilespmem:$0x18200] =	vst v63  }
0x7f: {  	s28 =	simm.s32 $0xDA00  }
0x80: {  	[tilespmem:s28], [sflag:$0x2] =	stream.indirect_vreg.gather [hbm4b:s1+s4], $0x80, v3, vm0, $0xb8;
	[tilespmem:$0x18200] =	vst v63  }
0x81: {  	s29 =	simm.s32 $0xE200  }
0x82: {  	[tilespmem:s29], [sflag:$0x2] =	stream.indirect_vreg.gather [hbm4b:s7+s4], $0x80, v3, vm0, $0xb8;
	[tilespmem:$0x18200] =	vst v63  }
0x83: {  	s30 =	simm.s32 $0xEA00  }
0x84: {  	[tilespmem:s30], [sflag:$0x2] =	stream.indirect_vreg.gather [hbm4b:s8+s4], $0x80, v3, vm0, $0xb8;
	[tilespmem:$0x18200] =	vst v63  }
0x85: {  	v3 =	vld [tilespmem:$0x50];
	_ =	sdelay $0x4  }
0x86: {  	v37 =	vshrl.u32 v3, $0x3  }
0x87: {  	v4 =	vmul.u32 $0x30, v37  }
0x88: {  	v3 =	vand.u32 $0x7, v3  }
0x89: {  	v3 =	vor.u32 v3, v4  }
0x8a: {  	v4 =	vperm.xlane v3, v0;
	_ =	sdelay $0x1  }
0x8b: {  	v4 =	vadd.s32 v1, v4;
	_ =	sdelay $0x3  }
0x8c: {  	s31 =	simm.s32 $0xF200;
	v3 =	vperm.xlane v3, v2  }
0x8d: {  	[tilespmem:s31], [sflag:$0x2] =	stream.indirect_vreg.gather [hbm4b:s1+s4], $0x80, v4, vm0, $0xb8;
	[tilespmem:$0x18200] =	vst v63  }
0x8e: {  	s0 =	simm.s32 $0xFA00;
	v3 =	vadd.s32 v1, v3  }
0x8f: {  	[tilespmem:s0], [sflag:$0x2] =	stream.indirect_vreg.gather [hbm4b:s7+s4], $0x80, v4, vm0, $0xb8;
	[tilespmem:$0x18200] =	vst v63  }
0x90: {  	s2 =	simm.s32 $0x10200  }
0x91: {  	[tilespmem:s2], [sflag:$0x2] =	stream.indirect_vreg.gather [hbm4b:s8+s4], $0x80, v4, vm0, $0xb8;
	[tilespmem:$0x18200] =	vst v63  }
0x92: {  	s16 =	simm.s32 $0x10A00  }
0x93: {  	[tilespmem:s16], [sflag:$0x2] =	stream.indirect_vreg.gather [hbm4b:s1+s4], $0x80, v3, vm0, $0xb8;
	[tilespmem:$0x18200] =	vst v63  }
0x94: {  	s17 =	simm.s32 $0x11200  }
0x95: {  	[tilespmem:s17], [sflag:$0x2] =	stream.indirect_vreg.gather [hbm4b:s7+s4], $0x80, v3, vm0, $0xb8;
	[tilespmem:$0x18200] =	vst v63  }
0x96: {  	s18 =	simm.s32 $0x11A00  }
0x97: {  	[tilespmem:s18], [sflag:$0x2] =	stream.indirect_vreg.gather [hbm4b:s8+s4], $0x80, v3, vm0, $0xb8;
	[tilespmem:$0x18200] =	vst v63  }
0x98: {  	v3 =	vld [tilespmem:$0x60];
	_ =	sdelay $0x4  }
0x99: {  	v38 =	vshrl.u32 v3, $0x3  }
0x9a: {  	v4 =	vmul.u32 $0x30, v38  }
0x9b: {  	v3 =	vand.u32 $0x7, v3  }
0x9c: {  	v3 =	vor.u32 v3, v4  }
0x9d: {  	v4 =	vperm.xlane v3, v0;
	_ =	sdelay $0x1  }
0x9e: {  	v4 =	vadd.s32 v1, v4;
	_ =	sdelay $0x3  }
0x9f: {  	s19 =	simm.s32 $0x12200;
	v3 =	vperm.xlane v3, v2  }
0xa0: {  	[tilespmem:s19], [sflag:$0x2] =	stream.indirect_vreg.gather [hbm4b:s1+s4], $0x80, v4, vm0, $0xb8;
	[tilespmem:$0x18200] =	vst v63  }
0xa1: {  	s25 =	simm.s32 $0x12A00;
	v3 =	vadd.s32 v1, v3  }
0xa2: {  	[tilespmem:s25], [sflag:$0x2] =	stream.indirect_vreg.gather [hbm4b:s7+s4], $0x80, v4, vm0, $0xb8;
	[tilespmem:$0x18200] =	vst v63  }
0xa3: {  	s26 =	simm.s32 $0x13200  }
0xa4: {  	[tilespmem:s26], [sflag:$0x2] =	stream.indirect_vreg.gather [hbm4b:s8+s4], $0x80, v4, vm0, $0xb8;
	[tilespmem:$0x18200] =	vst v63  }
0xa5: {  	s28 =	simm.s32 $0x13A00  }
0xa6: {  	[tilespmem:s28], [sflag:$0x2] =	stream.indirect_vreg.gather [hbm4b:s1+s4], $0x80, v3, vm0, $0xb8;
	[tilespmem:$0x18200] =	vst v63  }
0xa7: {  	s29 =	simm.s32 $0x14200  }
0xa8: {  	[tilespmem:s29], [sflag:$0x2] =	stream.indirect_vreg.gather [hbm4b:s7+s4], $0x80, v3, vm0, $0xb8;
	[tilespmem:$0x18200] =	vst v63  }
0xa9: {  	s30 =	simm.s32 $0x14A00  }
0xaa: {  	[tilespmem:s30], [sflag:$0x2] =	stream.indirect_vreg.gather [hbm4b:s8+s4], $0x80, v3, vm0, $0xb8;
	[tilespmem:$0x18200] =	vst v63  }
0xab: {  	v3 =	vld [tilespmem:$0x70];
	_ =	sdelay $0x4  }
0xac: {  	v39 =	vshrl.u32 v3, $0x3  }
0xad: {  	v4 =	vmul.u32 $0x30, v39  }
0xae: {  	v3 =	vand.u32 $0x7, v3  }
0xaf: {  	v3 =	vor.u32 v3, v4  }
0xb0: {  	v4 =	vperm.xlane v3, v0;
	_ =	sdelay $0x1  }
0xb1: {  	v4 =	vadd.s32 v1, v4;
	_ =	sdelay $0x3  }
0xb2: {  	s31 =	simm.s32 $0x15200;
	v3 =	vperm.xlane v3, v2  }
0xb3: {  	[tilespmem:s31], [sflag:$0x2] =	stream.indirect_vreg.gather [hbm4b:s1+s4], $0x80, v4, vm0, $0xb8;
	[tilespmem:$0x18200] =	vst v63  }
0xb4: {  	s0 =	simm.s32 $0x15A00;
	v3 =	vadd.s32 v1, v3  }
0xb5: {  	[tilespmem:s0], [sflag:$0x2] =	stream.indirect_vreg.gather [hbm4b:s7+s4], $0x80, v4, vm0, $0xb8;
	[tilespmem:$0x18200] =	vst v63  }
0xb6: {  	s2 =	simm.s32 $0x16200  }
0xb7: {  	[tilespmem:s2], [sflag:$0x2] =	stream.indirect_vreg.gather [hbm4b:s8+s4], $0x80, v4, vm0, $0xb8;
	[tilespmem:$0x18200] =	vst v63  }
0xb8: {  	s16 =	simm.s32 $0x16A00  }
0xb9: {  	[tilespmem:s16], [sflag:$0x2] =	stream.indirect_vreg.gather [hbm4b:s1+s4], $0x80, v3, vm0, $0xb8;
	[tilespmem:$0x18200] =	vst v63  }
0xba: {  	s17 =	simm.s32 $0x17200  }
0xbb: {  	[tilespmem:s17], [sflag:$0x2] =	stream.indirect_vreg.gather [hbm4b:s7+s4], $0x80, v3, vm0, $0xb8;
	[tilespmem:$0x18200] =	vst v63  }
0xbc: {  	s18 =	simm.s32 $0x17A00  }
0xbd: {  	[tilespmem:s18], [sflag:$0x2] =	stream.indirect_vreg.gather [hbm4b:s8+s4], $0x80, v3, vm0, $0xb8;
	[tilespmem:$0x18200] =	vst v63  }
0xbe: {  	_ =	swait.ge [sflag:s20], $0xC000  }
0xbf: {  	[sflag:s20] =	ssyncset.done $0x0  }
0xc0: {  	s19 =	rddreg [dreg:$0x6];
	[sflag:s20] =	ssyncadd.s32 $0xFFFF4000  }
0xc1: {  	[hbm4b:s19+s4] =	stream.linear.scatter [tilespmem:s24], [sflag:$0x3], $0xC000, $0x38;
	[tilespmem:$0x18200] =	vst v63  }
0xc2: {  	_ =	swait.ge [sflag:s12], $0xC000  }
0xc3: {  	[sflag:s12] =	ssyncset.done $0x0  }
0xc4: {  	[sflag:s12] =	ssyncadd.s32 $0xFFFF4000  }
0xc5: {  	v3 =	vld [tilespmem:$0x100];
	_ =	sdelay $0x4  }
0xc6: {  	v40 =	vshrl.u32 v3, $0x3  }
0xc7: {  	v4 =	vmul.u32 $0x30, v40  }
0xc8: {  	v3 =	vand.u32 $0x7, v3  }
0xc9: {  	v3 =	vor.u32 v3, v4  }
0xca: {  	v4 =	vperm.xlane v3, v0;
	_ =	sdelay $0x1  }
0xcb: {  	v4 =	vadd.s32 v1, v4;
	_ =	sdelay $0x3  }
0xcc: {  	v3 =	vperm.xlane v3, v2  }
0xcd: {  	[tilespmem:s24], [sflag:$0x1] =	stream.indirect_vreg.gather [hbm4b:s1+s4], $0x80, v4, vm0, $0xb8;
	[tilespmem:$0x18200] =	vst v63  }
0xce: {  	s17 =	simm.s32 $0xA00;
	v3 =	vadd.s32 v1, v3  }
0xcf: {  	[tilespmem:s17], [sflag:$0x1] =	stream.indirect_vreg.gather [hbm4b:s7+s4], $0x80, v4, vm0, $0xb8;
	[tilespmem:$0x18200] =	vst v63  }
0xd0: {  	s18 =	simm.s32 $0x1200  }
0xd1: {  	[tilespmem:s18], [sflag:$0x1] =	stream.indirect_vreg.gather [hbm4b:s8+s4], $0x80, v4, vm0, $0xb8;
	[tilespmem:$0x18200] =	vst v63  }
0xd2: {  	s19 =	simm.s32 $0x1A00  }
0xd3: {  	[tilespmem:s19], [sflag:$0x1] =	stream.indirect_vreg.gather [hbm4b:s1+s4], $0x80, v3, vm0, $0xb8;
	[tilespmem:$0x18200] =	vst v63  }
0xd4: {  	s25 =	simm.s32 $0x2200  }
0xd5: {  	[tilespmem:s25], [sflag:$0x1] =	stream.indirect_vreg.gather [hbm4b:s7+s4], $0x80, v3, vm0, $0xb8;
	[tilespmem:$0x18200] =	vst v63  }
0xd6: {  	s5 =	simm.s32 $0x2A00  }
0xd7: {  	[tilespmem:s5], [sflag:$0x1] =	stream.indirect_vreg.gather [hbm4b:s8+s4], $0x80, v3, vm0, $0xb8;
	[tilespmem:$0x18200] =	vst v63  }
0xd8: {  	v3 =	vld [tilespmem:$0x110];
	_ =	sdelay $0x4  }
0xd9: {  	v41 =	vshrl.u32 v3, $0x3  }
0xda: {  	v4 =	vmul.u32 $0x30, v41  }
0xdb: {  	v3 =	vand.u32 $0x7, v3  }
0xdc: {  	v3 =	vor.u32 v3, v4  }
0xdd: {  	v4 =	vperm.xlane v3, v0;
	_ =	sdelay $0x1  }
0xde: {  	v4 =	vadd.s32 v1, v4;
	_ =	sdelay $0x3  }
0xdf: {  	s6 =	simm.s32 $0x3200;
	v3 =	vperm.xlane v3, v2  }
0xe0: {  	[tilespmem:s6], [sflag:$0x1] =	stream.indirect_vreg.gather [hbm4b:s1+s4], $0x80, v4, vm0, $0xb8;
	[tilespmem:$0x18200] =	vst v63  }
0xe1: {  	s26 =	simm.s32 $0x3A00;
	v3 =	vadd.s32 v1, v3  }
0xe2: {  	[tilespmem:s26], [sflag:$0x1] =	stream.indirect_vreg.gather [hbm4b:s7+s4], $0x80, v4, vm0, $0xb8;
	[tilespmem:$0x18200] =	vst v63  }
0xe3: {  	s28 =	simm.s32 $0x4200  }
0xe4: {  	[tilespmem:s28], [sflag:$0x1] =	stream.indirect_vreg.gather [hbm4b:s8+s4], $0x80, v4, vm0, $0xb8;
	[tilespmem:$0x18200] =	vst v63  }
0xe5: {  	s29 =	simm.s32 $0x4A00  }
0xe6: {  	[tilespmem:s29], [sflag:$0x1] =	stream.indirect_vreg.gather [hbm4b:s1+s4], $0x80, v3, vm0, $0xb8;
	[tilespmem:$0x18200] =	vst v63  }
0xe7: {  	s30 =	simm.s32 $0x5200  }
0xe8: {  	[tilespmem:s30], [sflag:$0x1] =	stream.indirect_vreg.gather [hbm4b:s7+s4], $0x80, v3, vm0, $0xb8;
	[tilespmem:$0x18200] =	vst v63  }
0xe9: {  	s13 =	simm.s32 $0x5A00  }
0xea: {  	[tilespmem:s13], [sflag:$0x1] =	stream.indirect_vreg.gather [hbm4b:s8+s4], $0x80, v3, vm0, $0xb8;
	[tilespmem:$0x18200] =	vst v63  }
0xeb: {  	v3 =	vld [tilespmem:$0x120];
	_ =	sdelay $0x4  }
0xec: {  	v42 =	vshrl.u32 v3, $0x3  }
0xed: {  	v4 =	vmul.u32 $0x30, v42  }
0xee: {  	v3 =	vand.u32 $0x7, v3  }
0xef: {  	v3 =	vor.u32 v3, v4  }
0xf0: {  	v4 =	vperm.xlane v3, v0;
	_ =	sdelay $0x1  }
0xf1: {  	v4 =	vadd.s32 v1, v4;
	_ =	sdelay $0x3  }
0xf2: {  	s14 =	simm.s32 $0x6200;
	v3 =	vperm.xlane v3, v2  }
0xf3: {  	[tilespmem:s14], [sflag:$0x1] =	stream.indirect_vreg.gather [hbm4b:s1+s4], $0x80, v4, vm0, $0xb8;
	[tilespmem:$0x18200] =	vst v63  }
0xf4: {  	s31 =	simm.s32 $0x6A00;
	v3 =	vadd.s32 v1, v3  }
0xf5: {  	[tilespmem:s31], [sflag:$0x1] =	stream.indirect_vreg.gather [hbm4b:s7+s4], $0x80, v4, vm0, $0xb8;
	[tilespmem:$0x18200] =	vst v63  }
0xf6: {  	s0 =	simm.s32 $0x7200  }
0xf7: {  	[tilespmem:s0], [sflag:$0x1] =	stream.indirect_vreg.gather [hbm4b:s8+s4], $0x80, v4, vm0, $0xb8;
	[tilespmem:$0x18200] =	vst v63  }
0xf8: {  	s16 =	simm.s32 $0x7A00  }
0xf9: {  	[tilespmem:s16], [sflag:$0x1] =	stream.indirect_vreg.gather [hbm4b:s1+s4], $0x80, v3, vm0, $0xb8;
	[tilespmem:$0x18200] =	vst v63  }
0xfa: {  	s5 =	simm.s32 $0x8200  }
0xfb: {  	[tilespmem:s5], [sflag:$0x1] =	stream.indirect_vreg.gather [hbm4b:s7+s4], $0x80, v3, vm0, $0xb8;
	[tilespmem:$0x18200] =	vst v63  }
0xfc: {  	s15 =	simm.s32 $0x8A00  }
0xfd: {  	[tilespmem:s15], [sflag:$0x1] =	stream.indirect_vreg.gather [hbm4b:s8+s4], $0x80, v3, vm0, $0xb8;
	[tilespmem:$0x18200] =	vst v63  }
0xfe: {  	v3 =	vld [tilespmem:$0x130];
	_ =	sdelay $0x4  }
0xff: {  	v43 =	vshrl.u32 v3, $0x3  }
0x100: {  	v4 =	vmul.u32 $0x30, v43  }
0x101: {  	v3 =	vand.u32 $0x7, v3  }
0x102: {  	v3 =	vor.u32 v3, v4  }
0x103: {  	v4 =	vperm.xlane v3, v0;
	_ =	sdelay $0x1  }
0x104: {  	v4 =	vadd.s32 v1, v4;
	_ =	sdelay $0x3  }
0x105: {  	s2 =	simm.s32 $0x9200;
	v3 =	vperm.xlane v3, v2  }
0x106: {  	[tilespmem:s2], [sflag:$0x1] =	stream.indirect_vreg.gather [hbm4b:s1+s4], $0x80, v4, vm0, $0xb8;
	[tilespmem:$0x18200] =	vst v63  }
0x107: {  	s6 =	simm.s32 $0x9A00;
	v3 =	vadd.s32 v1, v3  }
0x108: {  	[tilespmem:s6], [sflag:$0x1] =	stream.indirect_vreg.gather [hbm4b:s7+s4], $0x80, v4, vm0, $0xb8;
	[tilespmem:$0x18200] =	vst v63  }
0x109: {  	s13 =	simm.s32 $0xA200  }
0x10a: {  	[tilespmem:s13], [sflag:$0x1] =	stream.indirect_vreg.gather [hbm4b:s8+s4], $0x80, v4, vm0, $0xb8;
	[tilespmem:$0x18200] =	vst v63  }
0x10b: {  	s14 =	simm.s32 $0xAA00  }
0x10c: {  	[tilespmem:s14], [sflag:$0x1] =	stream.indirect_vreg.gather [hbm4b:s1+s4], $0x80, v3, vm0, $0xb8;
	[tilespmem:$0x18200] =	vst v63  }
0x10d: {  	s15 =	simm.s32 $0xB200  }
0x10e: {  	[tilespmem:s15], [sflag:$0x1] =	stream.indirect_vreg.gather [hbm4b:s7+s4], $0x80, v3, vm0, $0xb8;
	[tilespmem:$0x18200] =	vst v63  }
0x10f: {  	s22 =	simm.s32 $0xBA00  }
0x110: {  	[tilespmem:s22], [sflag:$0x1] =	stream.indirect_vreg.gather [hbm4b:s8+s4], $0x80, v3, vm0, $0xb8;
	[tilespmem:$0x18200] =	vst v63  }
0x111: {  	_ =	swait.ge [sflag:s21], $0xC000  }
0x112: {  	[sflag:s21] =	ssyncset.done $0x0  }
0x113: {  	s22 =	rddreg [dreg:$0x7];
	[sflag:s21] =	ssyncadd.s32 $0xFFFF4000  }
0x114: {  	[hbm4b:s22+s4] =	stream.linear.scatter [tilespmem:s23], [sflag:$0x3], $0xC000, $0x38;
	[tilespmem:$0x18200] =	vst v63  }
0x115: {  	_ =	swait.ge [sflag:s12], $0xC000  }
0x116: {  	[sflag:s12] =	ssyncset.done $0x0  }
0x117: {  	[sflag:s12] =	ssyncadd.s32 $0xFFFF4000  }
0x118: {  	v3 =	vld [tilespmem:$0x140];
	_ =	sdelay $0x4  }
0x119: {  	v44 =	vshrl.u32 v3, $0x3  }
0x11a: {  	v4 =	vmul.u32 $0x30, v44  }
0x11b: {  	v3 =	vand.u32 $0x7, v3  }
0x11c: {  	v3 =	vor.u32 v3, v4  }
0x11d: {  	v4 =	vperm.xlane v3, v0;
	_ =	sdelay $0x1  }
0x11e: {  	v4 =	vadd.s32 v1, v4;
	_ =	sdelay $0x3  }
0x11f: {  	v3 =	vperm.xlane v3, v2  }
0x120: {  	[tilespmem:s23], [sflag:$0x2] =	stream.indirect_vreg.gather [hbm4b:s1+s4], $0x80, v4, vm0, $0xb8;
	[tilespmem:$0x18200] =	vst v63  }
0x121: {  	s22 =	simm.s32 $0xCA00;
	v3 =	vadd.s32 v1, v3  }
0x122: {  	[tilespmem:s22], [sflag:$0x2] =	stream.indirect_vreg.gather [hbm4b:s7+s4], $0x80, v4, vm0, $0xb8;
	[tilespmem:$0x18200] =	vst v63  }
0x123: {  	s22 =	simm.s32 $0xD200  }
0x124: {  	[tilespmem:s22], [sflag:$0x2] =	stream.indirect_vreg.gather [hbm4b:s8+s4], $0x80, v4, vm0, $0xb8;
	[tilespmem:$0x18200] =	vst v63  }
0x125: {  	s22 =	simm.s32 $0xDA00  }
0x126: {  	[tilespmem:s22], [sflag:$0x2] =	stream.indirect_vreg.gather [hbm4b:s1+s4], $0x80, v3, vm0, $0xb8;
	[tilespmem:$0x18200] =	vst v63  }
0x127: {  	s22 =	simm.s32 $0xE200  }
0x128: {  	[tilespmem:s22], [sflag:$0x2] =	stream.indirect_vreg.gather [hbm4b:s7+s4], $0x80, v3, vm0, $0xb8;
	[tilespmem:$0x18200] =	vst v63  }
0x129: {  	s22 =	simm.s32 $0xEA00  }
0x12a: {  	[tilespmem:s22], [sflag:$0x2] =	stream.indirect_vreg.gather [hbm4b:s8+s4], $0x80, v3, vm0, $0xb8;
	[tilespmem:$0x18200] =	vst v63  }
0x12b: {  	v3 =	vld [tilespmem:$0x150];
	_ =	sdelay $0x4  }
0x12c: {  	v45 =	vshrl.u32 v3, $0x3  }
0x12d: {  	v4 =	vmul.u32 $0x30, v45  }
0x12e: {  	v3 =	vand.u32 $0x7, v3  }
0x12f: {  	v3 =	vor.u32 v3, v4  }
0x130: {  	v4 =	vperm.xlane v3, v0;
	_ =	sdelay $0x1  }
0x131: {  	v4 =	vadd.s32 v1, v4;
	_ =	sdelay $0x3  }
0x132: {  	s22 =	simm.s32 $0xF200;
	v3 =	vperm.xlane v3, v2  }
0x133: {  	[tilespmem:s22], [sflag:$0x2] =	stream.indirect_vreg.gather [hbm4b:s1+s4], $0x80, v4, vm0, $0xb8;
	[tilespmem:$0x18200] =	vst v63  }
0x134: {  	v3 =	vadd.s32 v1, v3;
	s22 =	simm.s32 $0xFA00  }
0x135: {  	[tilespmem:s22], [sflag:$0x2] =	stream.indirect_vreg.gather [hbm4b:s7+s4], $0x80, v4, vm0, $0xb8;
	[tilespmem:$0x18200] =	vst v63  }
0x136: {  	s22 =	simm.s32 $0x10200  }
0x137: {  	[tilespmem:s22], [sflag:$0x2] =	stream.indirect_vreg.gather [hbm4b:s8+s4], $0x80, v4, vm0, $0xb8;
	[tilespmem:$0x18200] =	vst v63  }
0x138: {  	s22 =	simm.s32 $0x10A00  }
0x139: {  	[tilespmem:s22], [sflag:$0x2] =	stream.indirect_vreg.gather [hbm4b:s1+s4], $0x80, v3, vm0, $0xb8;
	[tilespmem:$0x18200] =	vst v63  }
0x13a: {  	s22 =	simm.s32 $0x11200  }
0x13b: {  	[tilespmem:s22], [sflag:$0x2] =	stream.indirect_vreg.gather [hbm4b:s7+s4], $0x80, v3, vm0, $0xb8;
	[tilespmem:$0x18200] =	vst v63  }
0x13c: {  	s22 =	simm.s32 $0x11A00  }
0x13d: {  	[tilespmem:s22], [sflag:$0x2] =	stream.indirect_vreg.gather [hbm4b:s8+s4], $0x80, v3, vm0, $0xb8;
	[tilespmem:$0x18200] =	vst v63  }
0x13e: {  	v3 =	vld [tilespmem:$0x160];
	_ =	sdelay $0x4  }
0x13f: {  	v46 =	vshrl.u32 v3, $0x3  }
0x140: {  	v4 =	vmul.u32 $0x30, v46  }
0x141: {  	v3 =	vand.u32 $0x7, v3  }
0x142: {  	v3 =	vor.u32 v3, v4  }
0x143: {  	v4 =	vperm.xlane v3, v0;
	_ =	sdelay $0x1  }
0x144: {  	v4 =	vadd.s32 v1, v4;
	_ =	sdelay $0x3  }
0x145: {  	s22 =	simm.s32 $0x12200;
	v3 =	vperm.xlane v3, v2  }
0x146: {  	[tilespmem:s22], [sflag:$0x2] =	stream.indirect_vreg.gather [hbm4b:s1+s4], $0x80, v4, vm0, $0xb8;
	[tilespmem:$0x18200] =	vst v63  }
0x147: {  	v3 =	vadd.s32 v1, v3;
	s22 =	simm.s32 $0x12A00  }
0x148: {  	[tilespmem:s22], [sflag:$0x2] =	stream.indirect_vreg.gather [hbm4b:s7+s4], $0x80, v4, vm0, $0xb8;
	[tilespmem:$0x18200] =	vst v63  }
0x149: {  	s22 =	simm.s32 $0x13200  }
0x14a: {  	[tilespmem:s22], [sflag:$0x2] =	stream.indirect_vreg.gather [hbm4b:s8+s4], $0x80, v4, vm0, $0xb8;
	[tilespmem:$0x18200] =	vst v63  }
0x14b: {  	s22 =	simm.s32 $0x13A00  }
0x14c: {  	[tilespmem:s22], [sflag:$0x2] =	stream.indirect_vreg.gather [hbm4b:s1+s4], $0x80, v3, vm0, $0xb8;
	[tilespmem:$0x18200] =	vst v63  }
0x14d: {  	s22 =	simm.s32 $0x14200  }
0x14e: {  	[tilespmem:s22], [sflag:$0x2] =	stream.indirect_vreg.gather [hbm4b:s7+s4], $0x80, v3, vm0, $0xb8;
	[tilespmem:$0x18200] =	vst v63  }
0x14f: {  	s22 =	simm.s32 $0x14A00  }
0x150: {  	[tilespmem:s22], [sflag:$0x2] =	stream.indirect_vreg.gather [hbm4b:s8+s4], $0x80, v3, vm0, $0xb8;
	[tilespmem:$0x18200] =	vst v63  }
0x151: {  	v3 =	vld [tilespmem:$0x170];
	_ =	sdelay $0x4  }
0x152: {  	v47 =	vshrl.u32 v3, $0x3  }
0x153: {  	v4 =	vmul.u32 $0x30, v47  }
0x154: {  	v3 =	vand.u32 $0x7, v3  }
0x155: {  	v3 =	vor.u32 v3, v4  }
0x156: {  	v4 =	vperm.xlane v3, v0;
	_ =	sdelay $0x1  }
0x157: {  	v4 =	vadd.s32 v1, v4;
	_ =	sdelay $0x3  }
0x158: {  	s22 =	simm.s32 $0x15200;
	v3 =	vperm.xlane v3, v2  }
0x159: {  	[tilespmem:s22], [sflag:$0x2] =	stream.indirect_vreg.gather [hbm4b:s1+s4], $0x80, v4, vm0, $0xb8;
	[tilespmem:$0x18200] =	vst v63  }
0x15a: {  	v3 =	vadd.s32 v1, v3;
	s22 =	simm.s32 $0x15A00  }
0x15b: {  	[tilespmem:s22], [sflag:$0x2] =	stream.indirect_vreg.gather [hbm4b:s7+s4], $0x80, v4, vm0, $0xb8;
	[tilespmem:$0x18200] =	vst v63  }
0x15c: {  	s22 =	simm.s32 $0x16200  }
0x15d: {  	[tilespmem:s22], [sflag:$0x2] =	stream.indirect_vreg.gather [hbm4b:s8+s4], $0x80, v4, vm0, $0xb8;
	[tilespmem:$0x18200] =	vst v63  }
0x15e: {  	s22 =	simm.s32 $0x16A00  }
0x15f: {  	[tilespmem:s22], [sflag:$0x2] =	stream.indirect_vreg.gather [hbm4b:s1+s4], $0x80, v3, vm0, $0xb8;
	[tilespmem:$0x18200] =	vst v63  }
0x160: {  	s22 =	simm.s32 $0x17200  }
0x161: {  	[tilespmem:s22], [sflag:$0x2] =	stream.indirect_vreg.gather [hbm4b:s7+s4], $0x80, v3, vm0, $0xb8;
	[tilespmem:$0x18200] =	vst v63  }
0x162: {  	s22 =	simm.s32 $0x17A00  }
0x163: {  	[tilespmem:s22], [sflag:$0x2] =	stream.indirect_vreg.gather [hbm4b:s8+s4], $0x80, v3, vm0, $0xb8;
	[tilespmem:$0x18200] =	vst v63  }
0x164: {  	_ =	swait.ge [sflag:s20], $0xC000  }
0x165: {  	[sflag:s20] =	ssyncset.done $0x0  }
0x166: {  	s22 =	rddreg [dreg:$0x8];
	[sflag:s20] =	ssyncadd.s32 $0xFFFF4000  }
0x167: {  	[hbm4b:s22+s4] =	stream.linear.scatter [tilespmem:s24], [sflag:$0x3], $0xC000, $0x38;
	[tilespmem:$0x18200] =	vst v63  }
0x168: {  	_ =	swait.ge [sflag:s12], $0xC000  }
0x169: {  	[sflag:s12] =	ssyncset.done $0x0  }
0x16a: {  	[sflag:s12] =	ssyncadd.s32 $0xFFFF4000  }
0x16b: {  	v3 =	vld [tilespmem:$0x80];
	_ =	sdelay $0x4  }
0x16c: {  	v48 =	vshrl.u32 v3, $0x3  }
0x16d: {  	v4 =	vmul.u32 $0x30, v48  }
0x16e: {  	v3 =	vand.u32 $0x7, v3  }
0x16f: {  	v3 =	vor.u32 v3, v4  }
0x170: {  	v4 =	vperm.xlane v3, v0;
	_ =	sdelay $0x1  }
0x171: {  	v4 =	vadd.s32 v1, v4;
	_ =	sdelay $0x3  }
0x172: {  	v3 =	vperm.xlane v3, v2  }
0x173: {  	[tilespmem:s24], [sflag:$0x1] =	stream.indirect_vreg.gather [hbm4b:s3+s4], $0x80, v4, vm0, $0xb8;
	[tilespmem:$0x18200] =	vst v63  }
0x174: {  	v3 =	vadd.s32 v1, v3  }
0x175: {  	[tilespmem:s17], [sflag:$0x1] =	stream.indirect_vreg.gather [hbm4b:s9+s4], $0x80, v4, vm0, $0xb8;
	[tilespmem:$0x18200] =	vst v63  }
0x176: {  	_ = 	snop  }
0x177: {  	[tilespmem:s18], [sflag:$0x1] =	stream.indirect_vreg.gather [hbm4b:s10+s4], $0x80, v4, vm0, $0xb8;
	[tilespmem:$0x18200] =	vst v63  }
0x178: {  	_ = 	snop  }
0x179: {  	[tilespmem:s19], [sflag:$0x1] =	stream.indirect_vreg.gather [hbm4b:s3+s4], $0x80, v3, vm0, $0xb8;
	[tilespmem:$0x18200] =	vst v63  }
0x17a: {  	_ = 	snop  }
0x17b: {  	[tilespmem:s25], [sflag:$0x1] =	stream.indirect_vreg.gather [hbm4b:s9+s4], $0x80, v3, vm0, $0xb8;
	[tilespmem:$0x18200] =	vst v63  }
0x17c: {  	s25 =	simm.s32 $0x2A00  }
0x17d: {  	[tilespmem:s25], [sflag:$0x1] =	stream.indirect_vreg.gather [hbm4b:s10+s4], $0x80, v3, vm0, $0xb8;
	[tilespmem:$0x18200] =	vst v63  }
0x17e: {  	v3 =	vld [tilespmem:$0x90];
	_ =	sdelay $0x4  }
0x17f: {  	v49 =	vshrl.u32 v3, $0x3  }
0x180: {  	v4 =	vmul.u32 $0x30, v49  }
0x181: {  	v3 =	vand.u32 $0x7, v3  }
0x182: {  	v3 =	vor.u32 v3, v4  }
0x183: {  	v4 =	vperm.xlane v3, v0;
	_ =	sdelay $0x1  }
0x184: {  	v4 =	vadd.s32 v1, v4;
	_ =	sdelay $0x3  }
0x185: {  	s25 =	simm.s32 $0x3200;
	v3 =	vperm.xlane v3, v2  }
0x186: {  	[tilespmem:s25], [sflag:$0x1] =	stream.indirect_vreg.gather [hbm4b:s3+s4], $0x80, v4, vm0, $0xb8;
	[tilespmem:$0x18200] =	vst v63  }
0x187: {  	v3 =	vadd.s32 v1, v3  }
0x188: {  	[tilespmem:s26], [sflag:$0x1] =	stream.indirect_vreg.gather [hbm4b:s9+s4], $0x80, v4, vm0, $0xb8;
	[tilespmem:$0x18200] =	vst v63  }
0x189: {  	_ = 	snop  }
0x18a: {  	[tilespmem:s28], [sflag:$0x1] =	stream.indirect_vreg.gather [hbm4b:s10+s4], $0x80, v4, vm0, $0xb8;
	[tilespmem:$0x18200] =	vst v63  }
0x18b: {  	_ = 	snop  }
0x18c: {  	[tilespmem:s29], [sflag:$0x1] =	stream.indirect_vreg.gather [hbm4b:s3+s4], $0x80, v3, vm0, $0xb8;
	[tilespmem:$0x18200] =	vst v63  }
0x18d: {  	_ = 	snop  }
0x18e: {  	[tilespmem:s30], [sflag:$0x1] =	stream.indirect_vreg.gather [hbm4b:s9+s4], $0x80, v3, vm0, $0xb8;
	[tilespmem:$0x18200] =	vst v63  }
0x18f: {  	s30 =	simm.s32 $0x5A00  }
0x190: {  	[tilespmem:s30], [sflag:$0x1] =	stream.indirect_vreg.gather [hbm4b:s10+s4], $0x80, v3, vm0, $0xb8;
	[tilespmem:$0x18200] =	vst v63  }
0x191: {  	v3 =	vld [tilespmem:$0xA0];
	_ =	sdelay $0x4  }
0x192: {  	v50 =	vshrl.u32 v3, $0x3  }
0x193: {  	v4 =	vmul.u32 $0x30, v50  }
0x194: {  	v3 =	vand.u32 $0x7, v3  }
0x195: {  	v3 =	vor.u32 v3, v4  }
0x196: {  	v4 =	vperm.xlane v3, v0;
	_ =	sdelay $0x1  }
0x197: {  	v4 =	vadd.s32 v1, v4;
	_ =	sdelay $0x3  }
0x198: {  	s30 =	simm.s32 $0x6200;
	v3 =	vperm.xlane v3, v2  }
0x199: {  	[tilespmem:s30], [sflag:$0x1] =	stream.indirect_vreg.gather [hbm4b:s3+s4], $0x80, v4, vm0, $0xb8;
	[tilespmem:$0x18200] =	vst v63  }
0x19a: {  	v3 =	vadd.s32 v1, v3  }
0x19b: {  	[tilespmem:s31], [sflag:$0x1] =	stream.indirect_vreg.gather [hbm4b:s9+s4], $0x80, v4, vm0, $0xb8;
	[tilespmem:$0x18200] =	vst v63  }
0x19c: {  	_ = 	snop  }
0x19d: {  	[tilespmem:s0], [sflag:$0x1] =	stream.indirect_vreg.gather [hbm4b:s10+s4], $0x80, v4, vm0, $0xb8;
	[tilespmem:$0x18200] =	vst v63  }
0x19e: {  	_ = 	snop  }
0x19f: {  	[tilespmem:s16], [sflag:$0x1] =	stream.indirect_vreg.gather [hbm4b:s3+s4], $0x80, v3, vm0, $0xb8;
	[tilespmem:$0x18200] =	vst v63  }
0x1a0: {  	_ = 	snop  }
0x1a1: {  	[tilespmem:s5], [sflag:$0x1] =	stream.indirect_vreg.gather [hbm4b:s9+s4], $0x80, v3, vm0, $0xb8;
	[tilespmem:$0x18200] =	vst v63  }
0x1a2: {  	s31 =	simm.s32 $0x8A00  }
0x1a3: {  	[tilespmem:s31], [sflag:$0x1] =	stream.indirect_vreg.gather [hbm4b:s10+s4], $0x80, v3, vm0, $0xb8;
	[tilespmem:$0x18200] =	vst v63  }
0x1a4: {  	v3 =	vld [tilespmem:$0xB0];
	_ =	sdelay $0x4  }
0x1a5: {  	v51 =	vshrl.u32 v3, $0x3  }
0x1a6: {  	v4 =	vmul.u32 $0x30, v51  }
0x1a7: {  	v3 =	vand.u32 $0x7, v3  }
0x1a8: {  	v3 =	vor.u32 v3, v4  }
0x1a9: {  	v4 =	vperm.xlane v3, v0;
	_ =	sdelay $0x1  }
0x1aa: {  	v4 =	vadd.s32 v1, v4;
	_ =	sdelay $0x3  }
0x1ab: {  	v3 =	vperm.xlane v3, v2  }
0x1ac: {  	[tilespmem:s2], [sflag:$0x1] =	stream.indirect_vreg.gather [hbm4b:s3+s4], $0x80, v4, vm0, $0xb8;
	[tilespmem:$0x18200] =	vst v63  }
0x1ad: {  	v3 =	vadd.s32 v1, v3  }
0x1ae: {  	[tilespmem:s6], [sflag:$0x1] =	stream.indirect_vreg.gather [hbm4b:s9+s4], $0x80, v4, vm0, $0xb8;
	[tilespmem:$0x18200] =	vst v63  }
0x1af: {  	_ = 	snop  }
0x1b0: {  	[tilespmem:s13], [sflag:$0x1] =	stream.indirect_vreg.gather [hbm4b:s10+s4], $0x80, v4, vm0, $0xb8;
	[tilespmem:$0x18200] =	vst v63  }
0x1b1: {  	_ = 	snop  }
0x1b2: {  	[tilespmem:s14], [sflag:$0x1] =	stream.indirect_vreg.gather [hbm4b:s3+s4], $0x80, v3, vm0, $0xb8;
	[tilespmem:$0x18200] =	vst v63  }
0x1b3: {  	_ = 	snop  }
0x1b4: {  	[tilespmem:s15], [sflag:$0x1] =	stream.indirect_vreg.gather [hbm4b:s9+s4], $0x80, v3, vm0, $0xb8;
	[tilespmem:$0x18200] =	vst v63  }
0x1b5: {  	s31 =	simm.s32 $0xBA00  }
0x1b6: {  	[tilespmem:s31], [sflag:$0x1] =	stream.indirect_vreg.gather [hbm4b:s10+s4], $0x80, v3, vm0, $0xb8;
	[tilespmem:$0x18200] =	vst v63  }
0x1b7: {  	_ =	swait.ge [sflag:s21], $0xC000  }
0x1b8: {  	[sflag:s21] =	ssyncset.done $0x0  }
0x1b9: {  	s31 =	rddreg [dreg:$0x9];
	[sflag:s21] =	ssyncadd.s32 $0xFFFF4000  }
0x1ba: {  	[hbm4b:s31+s4] =	stream.linear.scatter [tilespmem:s23], [sflag:$0x3], $0xC000, $0x38;
	[tilespmem:$0x18200] =	vst v63  }
0x1bb: {  	_ =	swait.ge [sflag:s12], $0xC000  }
0x1bc: {  	[sflag:s12] =	ssyncset.done $0x0  }
0x1bd: {  	[sflag:s12] =	ssyncadd.s32 $0xFFFF4000  }
0x1be: {  	v3 =	vld [tilespmem:$0xC0];
	_ =	sdelay $0x4  }
0x1bf: {  	v52 =	vshrl.u32 v3, $0x3  }
0x1c0: {  	v4 =	vmul.u32 $0x30, v52  }
0x1c1: {  	v3 =	vand.u32 $0x7, v3  }
0x1c2: {  	v3 =	vor.u32 v3, v4  }
0x1c3: {  	v4 =	vperm.xlane v3, v0;
	_ =	sdelay $0x1  }
0x1c4: {  	v4 =	vadd.s32 v1, v4;
	_ =	sdelay $0x3  }
0x1c5: {  	v3 =	vperm.xlane v3, v2  }
0x1c6: {  	[tilespmem:s23], [sflag:$0x2] =	stream.indirect_vreg.gather [hbm4b:s3+s4], $0x80, v4, vm0, $0xb8;
	[tilespmem:$0x18200] =	vst v63  }
0x1c7: {  	s31 =	simm.s32 $0xCA00;
	v3 =	vadd.s32 v1, v3  }
0x1c8: {  	[tilespmem:s31], [sflag:$0x2] =	stream.indirect_vreg.gather [hbm4b:s9+s4], $0x80, v4, vm0, $0xb8;
	[tilespmem:$0x18200] =	vst v63  }
0x1c9: {  	s22 =	simm.s32 $0xD200  }
0x1ca: {  	[tilespmem:s22], [sflag:$0x2] =	stream.indirect_vreg.gather [hbm4b:s10+s4], $0x80, v4, vm0, $0xb8;
	[tilespmem:$0x18200] =	vst v63  }
0x1cb: {  	s22 =	simm.s32 $0xDA00  }
0x1cc: {  	[tilespmem:s22], [sflag:$0x2] =	stream.indirect_vreg.gather [hbm4b:s3+s4], $0x80, v3, vm0, $0xb8;
	[tilespmem:$0x18200] =	vst v63  }
0x1cd: {  	s22 =	simm.s32 $0xE200  }
0x1ce: {  	[tilespmem:s22], [sflag:$0x2] =	stream.indirect_vreg.gather [hbm4b:s9+s4], $0x80, v3, vm0, $0xb8;
	[tilespmem:$0x18200] =	vst v63  }
0x1cf: {  	s22 =	simm.s32 $0xEA00  }
0x1d0: {  	[tilespmem:s22], [sflag:$0x2] =	stream.indirect_vreg.gather [hbm4b:s10+s4], $0x80, v3, vm0, $0xb8;
	[tilespmem:$0x18200] =	vst v63  }
0x1d1: {  	v3 =	vld [tilespmem:$0xD0];
	_ =	sdelay $0x4  }
0x1d2: {  	v53 =	vshrl.u32 v3, $0x3  }
0x1d3: {  	v4 =	vmul.u32 $0x30, v53  }
0x1d4: {  	v3 =	vand.u32 $0x7, v3  }
0x1d5: {  	v3 =	vor.u32 v3, v4  }
0x1d6: {  	v4 =	vperm.xlane v3, v0;
	_ =	sdelay $0x1  }
0x1d7: {  	v4 =	vadd.s32 v1, v4;
	_ =	sdelay $0x3  }
0x1d8: {  	s22 =	simm.s32 $0xF200;
	v3 =	vperm.xlane v3, v2  }
0x1d9: {  	[tilespmem:s22], [sflag:$0x2] =	stream.indirect_vreg.gather [hbm4b:s3+s4], $0x80, v4, vm0, $0xb8;
	[tilespmem:$0x18200] =	vst v63  }
0x1da: {  	v3 =	vadd.s32 v1, v3;
	s22 =	simm.s32 $0xFA00  }
0x1db: {  	[tilespmem:s22], [sflag:$0x2] =	stream.indirect_vreg.gather [hbm4b:s9+s4], $0x80, v4, vm0, $0xb8;
	[tilespmem:$0x18200] =	vst v63  }
0x1dc: {  	s22 =	simm.s32 $0x10200  }
0x1dd: {  	[tilespmem:s22], [sflag:$0x2] =	stream.indirect_vreg.gather [hbm4b:s10+s4], $0x80, v4, vm0, $0xb8;
	[tilespmem:$0x18200] =	vst v63  }
0x1de: {  	s22 =	simm.s32 $0x10A00  }
0x1df: {  	[tilespmem:s22], [sflag:$0x2] =	stream.indirect_vreg.gather [hbm4b:s3+s4], $0x80, v3, vm0, $0xb8;
	[tilespmem:$0x18200] =	vst v63  }
0x1e0: {  	s22 =	simm.s32 $0x11200  }
0x1e1: {  	[tilespmem:s22], [sflag:$0x2] =	stream.indirect_vreg.gather [hbm4b:s9+s4], $0x80, v3, vm0, $0xb8;
	[tilespmem:$0x18200] =	vst v63  }
0x1e2: {  	s22 =	simm.s32 $0x11A00  }
0x1e3: {  	[tilespmem:s22], [sflag:$0x2] =	stream.indirect_vreg.gather [hbm4b:s10+s4], $0x80, v3, vm0, $0xb8;
	[tilespmem:$0x18200] =	vst v63  }
0x1e4: {  	v3 =	vld [tilespmem:$0xE0];
	_ =	sdelay $0x4  }
0x1e5: {  	v54 =	vshrl.u32 v3, $0x3  }
0x1e6: {  	v4 =	vmul.u32 $0x30, v54  }
0x1e7: {  	v3 =	vand.u32 $0x7, v3  }
0x1e8: {  	v3 =	vor.u32 v3, v4  }
0x1e9: {  	v4 =	vperm.xlane v3, v0;
	_ =	sdelay $0x1  }
0x1ea: {  	v4 =	vadd.s32 v1, v4;
	_ =	sdelay $0x3  }
0x1eb: {  	s22 =	simm.s32 $0x12200;
	v3 =	vperm.xlane v3, v2  }
0x1ec: {  	[tilespmem:s22], [sflag:$0x2] =	stream.indirect_vreg.gather [hbm4b:s3+s4], $0x80, v4, vm0, $0xb8;
	[tilespmem:$0x18200] =	vst v63  }
0x1ed: {  	v3 =	vadd.s32 v1, v3;
	s22 =	simm.s32 $0x12A00  }
0x1ee: {  	[tilespmem:s22], [sflag:$0x2] =	stream.indirect_vreg.gather [hbm4b:s9+s4], $0x80, v4, vm0, $0xb8;
	[tilespmem:$0x18200] =	vst v63  }
0x1ef: {  	s22 =	simm.s32 $0x13200  }
0x1f0: {  	[tilespmem:s22], [sflag:$0x2] =	stream.indirect_vreg.gather [hbm4b:s10+s4], $0x80, v4, vm0, $0xb8;
	[tilespmem:$0x18200] =	vst v63  }
0x1f1: {  	s22 =	simm.s32 $0x13A00  }
0x1f2: {  	[tilespmem:s22], [sflag:$0x2] =	stream.indirect_vreg.gather [hbm4b:s3+s4], $0x80, v3, vm0, $0xb8;
	[tilespmem:$0x18200] =	vst v63  }
0x1f3: {  	s22 =	simm.s32 $0x14200  }
0x1f4: {  	[tilespmem:s22], [sflag:$0x2] =	stream.indirect_vreg.gather [hbm4b:s9+s4], $0x80, v3, vm0, $0xb8;
	[tilespmem:$0x18200] =	vst v63  }
0x1f5: {  	s22 =	simm.s32 $0x14A00  }
0x1f6: {  	[tilespmem:s22], [sflag:$0x2] =	stream.indirect_vreg.gather [hbm4b:s10+s4], $0x80, v3, vm0, $0xb8;
	[tilespmem:$0x18200] =	vst v63  }
0x1f7: {  	v3 =	vld [tilespmem:$0xF0];
	_ =	sdelay $0x4  }
0x1f8: {  	v55 =	vshrl.u32 v3, $0x3  }
0x1f9: {  	v4 =	vmul.u32 $0x30, v55  }
0x1fa: {  	v3 =	vand.u32 $0x7, v3  }
0x1fb: {  	v3 =	vor.u32 v3, v4  }
0x1fc: {  	v4 =	vperm.xlane v3, v0;
	_ =	sdelay $0x1  }
0x1fd: {  	v4 =	vadd.s32 v1, v4;
	_ =	sdelay $0x3  }
0x1fe: {  	s22 =	simm.s32 $0x15200;
	v3 =	vperm.xlane v3, v2  }
0x1ff: {  	[tilespmem:s22], [sflag:$0x2] =	stream.indirect_vreg.gather [hbm4b:s3+s4], $0x80, v4, vm0, $0xb8;
	[tilespmem:$0x18200] =	vst v63  }
0x200: {  	v3 =	vadd.s32 v1, v3;
	s22 =	simm.s32 $0x15A00  }
0x201: {  	[tilespmem:s22], [sflag:$0x2] =	stream.indirect_vreg.gather [hbm4b:s9+s4], $0x80, v4, vm0, $0xb8;
	[tilespmem:$0x18200] =	vst v63  }
0x202: {  	s22 =	simm.s32 $0x16200  }
0x203: {  	[tilespmem:s22], [sflag:$0x2] =	stream.indirect_vreg.gather [hbm4b:s10+s4], $0x80, v4, vm0, $0xb8;
	[tilespmem:$0x18200] =	vst v63  }
0x204: {  	s22 =	simm.s32 $0x16A00  }
0x205: {  	[tilespmem:s22], [sflag:$0x2] =	stream.indirect_vreg.gather [hbm4b:s3+s4], $0x80, v3, vm0, $0xb8;
	[tilespmem:$0x18200] =	vst v63  }
0x206: {  	s22 =	simm.s32 $0x17200  }
0x207: {  	[tilespmem:s22], [sflag:$0x2] =	stream.indirect_vreg.gather [hbm4b:s9+s4], $0x80, v3, vm0, $0xb8;
	[tilespmem:$0x18200] =	vst v63  }
0x208: {  	s22 =	simm.s32 $0x17A00  }
0x209: {  	[tilespmem:s22], [sflag:$0x2] =	stream.indirect_vreg.gather [hbm4b:s10+s4], $0x80, v3, vm0, $0xb8;
	[tilespmem:$0x18200] =	vst v63  }
0x20a: {  	_ =	swait.ge [sflag:s20], $0xC000  }
0x20b: {  	[sflag:s20] =	ssyncset.done $0x0  }
0x20c: {  	s22 =	rddreg [dreg:$0xa];
	[sflag:s20] =	ssyncadd.s32 $0xFFFF4000  }
0x20d: {  	[hbm4b:s22+s4] =	stream.linear.scatter [tilespmem:s24], [sflag:$0x3], $0xC000, $0x38;
	[tilespmem:$0x18200] =	vst v63  }
0x20e: {  	_ =	swait.ge [sflag:s12], $0xC000  }
0x20f: {  	[sflag:s12] =	ssyncset.done $0x0  }
0x210: {  	[sflag:s12] =	ssyncadd.s32 $0xFFFF4000  }
0x211: {  	v3 =	vld [tilespmem:$0x180];
	_ =	sdelay $0x4  }
0x212: {  	v56 =	vshrl.u32 v3, $0x3  }
0x213: {  	v4 =	vmul.u32 $0x30, v56  }
0x214: {  	v3 =	vand.u32 $0x7, v3  }
0x215: {  	v3 =	vor.u32 v3, v4  }
0x216: {  	v4 =	vperm.xlane v3, v0;
	_ =	sdelay $0x1  }
0x217: {  	v4 =	vadd.s32 v1, v4;
	_ =	sdelay $0x3  }
0x218: {  	v3 =	vperm.xlane v3, v2  }
0x219: {  	[tilespmem:s24], [sflag:$0x1] =	stream.indirect_vreg.gather [hbm4b:s3+s4], $0x80, v4, vm0, $0xb8;
	[tilespmem:$0x18200] =	vst v63  }
0x21a: {  	s22 =	simm.s32 $0xA00;
	v3 =	vadd.s32 v1, v3  }
0x21b: {  	[tilespmem:s22], [sflag:$0x1] =	stream.indirect_vreg.gather [hbm4b:s9+s4], $0x80, v4, vm0, $0xb8;
	[tilespmem:$0x18200] =	vst v63  }
0x21c: {  	s17 =	simm.s32 $0x1200  }
0x21d: {  	[tilespmem:s17], [sflag:$0x1] =	stream.indirect_vreg.gather [hbm4b:s10+s4], $0x80, v4, vm0, $0xb8;
	[tilespmem:$0x18200] =	vst v63  }
0x21e: {  	s18 =	simm.s32 $0x1A00  }
0x21f: {  	[tilespmem:s18], [sflag:$0x1] =	stream.indirect_vreg.gather [hbm4b:s3+s4], $0x80, v3, vm0, $0xb8;
	[tilespmem:$0x18200] =	vst v63  }
0x220: {  	s19 =	simm.s32 $0x2200  }
0x221: {  	[tilespmem:s19], [sflag:$0x1] =	stream.indirect_vreg.gather [hbm4b:s9+s4], $0x80, v3, vm0, $0xb8;
	[tilespmem:$0x18200] =	vst v63  }
0x222: {  	s19 =	simm.s32 $0x2A00  }
0x223: {  	[tilespmem:s19], [sflag:$0x1] =	stream.indirect_vreg.gather [hbm4b:s10+s4], $0x80, v3, vm0, $0xb8;
	[tilespmem:$0x18200] =	vst v63  }
0x224: {  	v3 =	vld [tilespmem:$0x190];
	_ =	sdelay $0x4  }
0x225: {  	v57 =	vshrl.u32 v3, $0x3  }
0x226: {  	v4 =	vmul.u32 $0x30, v57  }
0x227: {  	v3 =	vand.u32 $0x7, v3  }
0x228: {  	v3 =	vor.u32 v3, v4  }
0x229: {  	v4 =	vperm.xlane v3, v0;
	_ =	sdelay $0x1  }
0x22a: {  	v4 =	vadd.s32 v1, v4;
	_ =	sdelay $0x3  }
0x22b: {  	s22 =	simm.s32 $0x3200;
	v3 =	vperm.xlane v3, v2  }
0x22c: {  	[tilespmem:s22], [sflag:$0x1] =	stream.indirect_vreg.gather [hbm4b:s3+s4], $0x80, v4, vm0, $0xb8;
	[tilespmem:$0x18200] =	vst v63  }
0x22d: {  	s25 =	simm.s32 $0x3A00;
	v3 =	vadd.s32 v1, v3  }
0x22e: {  	[tilespmem:s25], [sflag:$0x1] =	stream.indirect_vreg.gather [hbm4b:s9+s4], $0x80, v4, vm0, $0xb8;
	[tilespmem:$0x18200] =	vst v63  }
0x22f: {  	s26 =	simm.s32 $0x4200  }
0x230: {  	[tilespmem:s26], [sflag:$0x1] =	stream.indirect_vreg.gather [hbm4b:s10+s4], $0x80, v4, vm0, $0xb8;
	[tilespmem:$0x18200] =	vst v63  }
0x231: {  	s28 =	simm.s32 $0x4A00  }
0x232: {  	[tilespmem:s28], [sflag:$0x1] =	stream.indirect_vreg.gather [hbm4b:s3+s4], $0x80, v3, vm0, $0xb8;
	[tilespmem:$0x18200] =	vst v63  }
0x233: {  	s29 =	simm.s32 $0x5200  }
0x234: {  	[tilespmem:s29], [sflag:$0x1] =	stream.indirect_vreg.gather [hbm4b:s9+s4], $0x80, v3, vm0, $0xb8;
	[tilespmem:$0x18200] =	vst v63  }
0x235: {  	s28 =	simm.s32 $0x5A00  }
0x236: {  	[tilespmem:s28], [sflag:$0x1] =	stream.indirect_vreg.gather [hbm4b:s10+s4], $0x80, v3, vm0, $0xb8;
	[tilespmem:$0x18200] =	vst v63  }
0x237: {  	v3 =	vld [tilespmem:$0x1A0];
	_ =	sdelay $0x4  }
0x238: {  	v58 =	vshrl.u32 v3, $0x3  }
0x239: {  	v4 =	vmul.u32 $0x30, v58  }
0x23a: {  	v3 =	vand.u32 $0x7, v3  }
0x23b: {  	v3 =	vor.u32 v3, v4  }
0x23c: {  	v4 =	vperm.xlane v3, v0;
	_ =	sdelay $0x1  }
0x23d: {  	v4 =	vadd.s32 v1, v4;
	_ =	sdelay $0x3  }
0x23e: {  	s29 =	simm.s32 $0x6200;
	v3 =	vperm.xlane v3, v2  }
0x23f: {  	[tilespmem:s29], [sflag:$0x1] =	stream.indirect_vreg.gather [hbm4b:s3+s4], $0x80, v4, vm0, $0xb8;
	[tilespmem:$0x18200] =	vst v63  }
0x240: {  	s30 =	simm.s32 $0x6A00;
	v3 =	vadd.s32 v1, v3  }
0x241: {  	[tilespmem:s30], [sflag:$0x1] =	stream.indirect_vreg.gather [hbm4b:s9+s4], $0x80, v4, vm0, $0xb8;
	[tilespmem:$0x18200] =	vst v63  }
0x242: {  	s0 =	simm.s32 $0x7200  }
0x243: {  	[tilespmem:s0], [sflag:$0x1] =	stream.indirect_vreg.gather [hbm4b:s10+s4], $0x80, v4, vm0, $0xb8;
	[tilespmem:$0x18200] =	vst v63  }
0x244: {  	s16 =	simm.s32 $0x7A00  }
0x245: {  	[tilespmem:s16], [sflag:$0x1] =	stream.indirect_vreg.gather [hbm4b:s3+s4], $0x80, v3, vm0, $0xb8;
	[tilespmem:$0x18200] =	vst v63  }
0x246: {  	s5 =	simm.s32 $0x8200  }
0x247: {  	[tilespmem:s5], [sflag:$0x1] =	stream.indirect_vreg.gather [hbm4b:s9+s4], $0x80, v3, vm0, $0xb8;
	[tilespmem:$0x18200] =	vst v63  }
0x248: {  	s17 =	simm.s32 $0x8A00  }
0x249: {  	[tilespmem:s17], [sflag:$0x1] =	stream.indirect_vreg.gather [hbm4b:s10+s4], $0x80, v3, vm0, $0xb8;
	[tilespmem:$0x18200] =	vst v63  }
0x24a: {  	v3 =	vld [tilespmem:$0x1B0];
	_ =	sdelay $0x4  }
0x24b: {  	v59 =	vshrl.u32 v3, $0x3  }
0x24c: {  	v4 =	vmul.u32 $0x30, v59  }
0x24d: {  	v3 =	vand.u32 $0x7, v3  }
0x24e: {  	v3 =	vor.u32 v3, v4  }
0x24f: {  	v4 =	vperm.xlane v3, v0;
	_ =	sdelay $0x1  }
0x250: {  	v4 =	vadd.s32 v1, v4;
	_ =	sdelay $0x3  }
0x251: {  	s2 =	simm.s32 $0x9200;
	v3 =	vperm.xlane v3, v2  }
0x252: {  	[tilespmem:s2], [sflag:$0x1] =	stream.indirect_vreg.gather [hbm4b:s3+s4], $0x80, v4, vm0, $0xb8;
	[tilespmem:$0x18200] =	vst v63  }
0x253: {  	s6 =	simm.s32 $0x9A00;
	v3 =	vadd.s32 v1, v3  }
0x254: {  	[tilespmem:s6], [sflag:$0x1] =	stream.indirect_vreg.gather [hbm4b:s9+s4], $0x80, v4, vm0, $0xb8;
	[tilespmem:$0x18200] =	vst v63  }
0x255: {  	s13 =	simm.s32 $0xA200  }
0x256: {  	[tilespmem:s13], [sflag:$0x1] =	stream.indirect_vreg.gather [hbm4b:s10+s4], $0x80, v4, vm0, $0xb8;
	[tilespmem:$0x18200] =	vst v63  }
0x257: {  	s14 =	simm.s32 $0xAA00  }
0x258: {  	[tilespmem:s14], [sflag:$0x1] =	stream.indirect_vreg.gather [hbm4b:s3+s4], $0x80, v3, vm0, $0xb8;
	[tilespmem:$0x18200] =	vst v63  }
0x259: {  	s15 =	simm.s32 $0xB200  }
0x25a: {  	[tilespmem:s15], [sflag:$0x1] =	stream.indirect_vreg.gather [hbm4b:s9+s4], $0x80, v3, vm0, $0xb8;
	[tilespmem:$0x18200] =	vst v63  }
0x25b: {  	s18 =	simm.s32 $0xBA00  }
0x25c: {  	[tilespmem:s18], [sflag:$0x1] =	stream.indirect_vreg.gather [hbm4b:s10+s4], $0x80, v3, vm0, $0xb8;
	[tilespmem:$0x18200] =	vst v63  }
0x25d: {  	_ =	swait.ge [sflag:s21], $0xC000  }
0x25e: {  	[sflag:s21] =	ssyncset.done $0x0  }
0x25f: {  	s19 =	rddreg [dreg:$0xb];
	[sflag:s21] =	ssyncadd.s32 $0xFFFF4000  }
0x260: {  	[hbm4b:s19+s4] =	stream.linear.scatter [tilespmem:s23], [sflag:$0x3], $0xC000, $0x38;
	[tilespmem:$0x18200] =	vst v63  }
0x261: {  	_ =	swait.ge [sflag:s12], $0xC000  }
0x262: {  	[sflag:s12] =	ssyncset.done $0x0  }
0x263: {  	[sflag:s12] =	ssyncadd.s32 $0xFFFF4000  }
0x264: {  	v3 =	vld [tilespmem:$0x1C0];
	_ =	sdelay $0x4  }
0x265: {  	v60 =	vshrl.u32 v3, $0x3  }
0x266: {  	v4 =	vmul.u32 $0x30, v60  }
0x267: {  	v3 =	vand.u32 $0x7, v3  }
0x268: {  	v3 =	vor.u32 v3, v4  }
0x269: {  	v4 =	vperm.xlane v3, v0;
	_ =	sdelay $0x1  }
0x26a: {  	v4 =	vadd.s32 v1, v4;
	_ =	sdelay $0x3  }
0x26b: {  	v3 =	vperm.xlane v3, v2  }
0x26c: {  	[tilespmem:s23], [sflag:$0x2] =	stream.indirect_vreg.gather [hbm4b:s3+s4], $0x80, v4, vm0, $0xb8;
	[tilespmem:$0x18200] =	vst v63  }
0x26d: {  	s31 =	simm.s32 $0xCA00;
	v3 =	vadd.s32 v1, v3  }
0x26e: {  	[tilespmem:s31], [sflag:$0x2] =	stream.indirect_vreg.gather [hbm4b:s9+s4], $0x80, v4, vm0, $0xb8;
	[tilespmem:$0x18200] =	vst v63  }
0x26f: {  	s22 =	simm.s32 $0xD200  }
0x270: {  	[tilespmem:s22], [sflag:$0x2] =	stream.indirect_vreg.gather [hbm4b:s10+s4], $0x80, v4, vm0, $0xb8;
	[tilespmem:$0x18200] =	vst v63  }
0x271: {  	s25 =	simm.s32 $0xDA00  }
0x272: {  	[tilespmem:s25], [sflag:$0x2] =	stream.indirect_vreg.gather [hbm4b:s3+s4], $0x80, v3, vm0, $0xb8;
	[tilespmem:$0x18200] =	vst v63  }
0x273: {  	s26 =	simm.s32 $0xE200  }
0x274: {  	[tilespmem:s26], [sflag:$0x2] =	stream.indirect_vreg.gather [hbm4b:s9+s4], $0x80, v3, vm0, $0xb8;
	[tilespmem:$0x18200] =	vst v63  }
0x275: {  	s28 =	simm.s32 $0xEA00  }
0x276: {  	[tilespmem:s28], [sflag:$0x2] =	stream.indirect_vreg.gather [hbm4b:s10+s4], $0x80, v3, vm0, $0xb8;
	[tilespmem:$0x18200] =	vst v63  }
0x277: {  	v3 =	vld [tilespmem:$0x1D0];
	_ =	sdelay $0x4  }
0x278: {  	v61 =	vshrl.u32 v3, $0x3  }
0x279: {  	v4 =	vmul.u32 $0x30, v61  }
0x27a: {  	v3 =	vand.u32 $0x7, v3  }
0x27b: {  	v3 =	vor.u32 v3, v4  }
0x27c: {  	v4 =	vperm.xlane v3, v0;
	_ =	sdelay $0x1  }
0x27d: {  	v4 =	vadd.s32 v1, v4;
	_ =	sdelay $0x3  }
0x27e: {  	s29 =	simm.s32 $0xF200;
	v3 =	vperm.xlane v3, v2  }
0x27f: {  	[tilespmem:s29], [sflag:$0x2] =	stream.indirect_vreg.gather [hbm4b:s3+s4], $0x80, v4, vm0, $0xb8;
	[tilespmem:$0x18200] =	vst v63  }
0x280: {  	s30 =	simm.s32 $0xFA00;
	v3 =	vadd.s32 v1, v3  }
0x281: {  	[tilespmem:s30], [sflag:$0x2] =	stream.indirect_vreg.gather [hbm4b:s9+s4], $0x80, v4, vm0, $0xb8;
	[tilespmem:$0x18200] =	vst v63  }
0x282: {  	s31 =	simm.s32 $0x10200  }
0x283: {  	[tilespmem:s31], [sflag:$0x2] =	stream.indirect_vreg.gather [hbm4b:s10+s4], $0x80, v4, vm0, $0xb8;
	[tilespmem:$0x18200] =	vst v63  }
0x284: {  	s2 =	simm.s32 $0x10A00  }
0x285: {  	[tilespmem:s2], [sflag:$0x2] =	stream.indirect_vreg.gather [hbm4b:s3+s4], $0x80, v3, vm0, $0xb8;
	[tilespmem:$0x18200] =	vst v63  }
0x286: {  	s5 =	simm.s32 $0x11200  }
0x287: {  	[tilespmem:s5], [sflag:$0x2] =	stream.indirect_vreg.gather [hbm4b:s9+s4], $0x80, v3, vm0, $0xb8;
	[tilespmem:$0x18200] =	vst v63  }
0x288: {  	s6 =	simm.s32 $0x11A00  }
0x289: {  	[tilespmem:s6], [sflag:$0x2] =	stream.indirect_vreg.gather [hbm4b:s10+s4], $0x80, v3, vm0, $0xb8;
	[tilespmem:$0x18200] =	vst v63  }
0x28a: {  	v3 =	vld [tilespmem:$0x1E0];
	_ =	sdelay $0x4  }
0x28b: {  	v62 =	vshrl.u32 v3, $0x3  }
0x28c: {  	v4 =	vmul.u32 $0x30, v62  }
0x28d: {  	v3 =	vand.u32 $0x7, v3  }
0x28e: {  	v3 =	vor.u32 v3, v4  }
0x28f: {  	v4 =	vperm.xlane v3, v0;
	_ =	sdelay $0x1  }
0x290: {  	v4 =	vadd.s32 v1, v4;
	_ =	sdelay $0x3  }
0x291: {  	s13 =	simm.s32 $0x12200;
	v3 =	vperm.xlane v3, v2  }
0x292: {  	[tilespmem:s13], [sflag:$0x2] =	stream.indirect_vreg.gather [hbm4b:s3+s4], $0x80, v4, vm0, $0xb8;
	[tilespmem:$0x18200] =	vst v63  }
0x293: {  	s14 =	simm.s32 $0x12A00;
	v3 =	vadd.s32 v1, v3  }
0x294: {  	[tilespmem:s14], [sflag:$0x2] =	stream.indirect_vreg.gather [hbm4b:s9+s4], $0x80, v4, vm0, $0xb8;
	[tilespmem:$0x18200] =	vst v63  }
0x295: {  	s15 =	simm.s32 $0x13200  }
0x296: {  	[tilespmem:s15], [sflag:$0x2] =	stream.indirect_vreg.gather [hbm4b:s10+s4], $0x80, v4, vm0, $0xb8;
	[tilespmem:$0x18200] =	vst v63  }
0x297: {  	s16 =	simm.s32 $0x13A00  }
0x298: {  	[tilespmem:s16], [sflag:$0x2] =	stream.indirect_vreg.gather [hbm4b:s3+s4], $0x80, v3, vm0, $0xb8;
	[tilespmem:$0x18200] =	vst v63  }
0x299: {  	s17 =	simm.s32 $0x14200  }
0x29a: {  	[tilespmem:s17], [sflag:$0x2] =	stream.indirect_vreg.gather [hbm4b:s9+s4], $0x80, v3, vm0, $0xb8;
	[tilespmem:$0x18200] =	vst v63  }
0x29b: {  	s18 =	simm.s32 $0x14A00  }
0x29c: {  	[tilespmem:s18], [sflag:$0x2] =	stream.indirect_vreg.gather [hbm4b:s10+s4], $0x80, v3, vm0, $0xb8;
	[tilespmem:$0x18200] =	vst v63  }
0x29d: {  	v3 =	vld [tilespmem:$0x1F0];
	_ =	sdelay $0x4  }
0x29e: {  	v63 =	vshrl.u32 v3, $0x3  }
0x29f: {  	v4 =	vmul.u32 $0x30, v63  }
0x2a0: {  	v3 =	vand.u32 $0x7, v3  }
0x2a1: {  	v3 =	vor.u32 v3, v4  }
0x2a2: {  	v4 =	vperm.xlane v3, v0;
	_ =	sdelay $0x1  }
0x2a3: {  	v4 =	vadd.s32 v1, v4;
	_ =	sdelay $0x3  }
0x2a4: {  	s19 =	simm.s32 $0x15200;
	v3 =	vperm.xlane v3, v2  }
0x2a5: {  	[tilespmem:s19], [sflag:$0x2] =	stream.indirect_vreg.gather [hbm4b:s3+s4], $0x80, v4, vm0, $0xb8;
	[tilespmem:$0x18200] =	vst v63  }
0x2a6: {  	s22 =	simm.s32 $0x15A00;
	v3 =	vadd.s32 v1, v3  }
0x2a7: {  	[tilespmem:s22], [sflag:$0x2] =	stream.indirect_vreg.gather [hbm4b:s9+s4], $0x80, v4, vm0, $0xb8;
	[tilespmem:$0x18200] =	vst v63  }
0x2a8: {  	s25 =	simm.s32 $0x16200  }
0x2a9: {  	[tilespmem:s25], [sflag:$0x2] =	stream.indirect_vreg.gather [hbm4b:s10+s4], $0x80, v4, vm0, $0xb8;
	[tilespmem:$0x18200] =	vst v63  }
0x2aa: {  	s26 =	simm.s32 $0x16A00  }
0x2ab: {  	[tilespmem:s26], [sflag:$0x2] =	stream.indirect_vreg.gather [hbm4b:s3+s4], $0x80, v3, vm0, $0xb8;
	[tilespmem:$0x18200] =	vst v63  }
0x2ac: {  	s28 =	simm.s32 $0x17200  }
0x2ad: {  	[tilespmem:s28], [sflag:$0x2] =	stream.indirect_vreg.gather [hbm4b:s9+s4], $0x80, v3, vm0, $0xb8;
	[tilespmem:$0x18200] =	vst v63  }
0x2ae: {  	s29 =	simm.s32 $0x17A00  }
0x2af: {  	[tilespmem:s29], [sflag:$0x2] =	stream.indirect_vreg.gather [hbm4b:s10+s4], $0x80, v3, vm0, $0xb8;
	[tilespmem:$0x18200] =	vst v63  }
0x2b0: {  	_ =	swait.ge [sflag:s20], $0xC000  }
0x2b1: {  	[sflag:s20] =	ssyncset.done $0x0  }
0x2b2: {  	s30 =	rddreg [dreg:$0xc];
	[sflag:s20] =	ssyncadd.s32 $0xFFFF4000  }
0x2b3: {  	[hbm4b:s30+s4] =	stream.linear.scatter [tilespmem:s24], [sflag:$0x3], $0xC000, $0x38;
	[tilespmem:$0x18200] =	vst v63  }
0x2b4: {  	_ =	swait.ge [sflag:s12], $0xC000  }
0x2b5: {  	[sflag:s12] =	ssyncset.done $0x0  }
0x2b6: {  	[sflag:s12] =	ssyncadd.s32 $0xFFFF4000  }
0x2b7: {  	_ =	swait.ge [sflag:s21], $0xC000  }
0x2b8: {  	p0 =	sne.s32 s11, $0x1;
	[sflag:s21] =	ssyncset.done $0x0  }
.Ltmp0:
0x2b9: {  	s31 =	rddreg [dreg:$0xd];
	[sflag:s21] =	ssyncadd.s32 $0xFFFF4000;
	(pc) =	sbr.rel @p0 .LBB2_1-.Ltmp0, $4  }
0x2ba: {  	[hbm4b:s31+s4] =	stream.linear.scatter [tilespmem:s23], [sflag:$0x3], $0xC000, $0x38;
	[tilespmem:$0x18200] =	vst v63  }
0x2bb: {  	_ =	swait.ge [sflag:s12], $0xC000  }
0x2bc: {  	[sflag:s12] =	ssyncset.done $0x0  }
0x2bd: {  	s11 =	sadd.s32 $0xFFFFFFFF, s11;
	[sflag:s12] =	ssyncadd.s32 $0xFFFF4000  }
0x2be: {  	_ =	sfence.sel $0x180000  }
0x2bf: {  	[bflag:$0x0] =	sbarrier.arrive $0xFFFF  }
0x2c0: {  	_ =	strace $0x90000047  }
0x2c1: {  	s0 =	stileid.u32;
	[bflag:$0x2] =	sbarrier.arrive $0xFFFF  }
0x2c2: {  	p0 =	sne.s32 s0, $0x0;
	s0 =	rddreg [dreg:$0x5]  }
0x2c3: {  	s0 =	sadd.s32 @!p0 $0x100000, s0  }
0x2c4: {  	[sflag:s0] =	ssyncadd.tile.s32 @!p0 $0x1;
	_ =	shalt  }
.Lfunc_end2:
_tile_overlayer_lowered:
.L_overlay_start_2:
0x2c5: {  	(tag) =	ssettag $0x2  }
0x2c6: {  	s0 =	rddreg [dreg:$0x0];
	s2 =	stileid.u32  }
0x2c7: {  	s1 =	rddreg [dreg:$0x1];
	p0 =	sne.s32 s2, $0x0  }
0x2c8: {  	s3 =	rddreg [dreg:$0x2];
	[bflag:$0x3] =	sbarrier.arrive $0xFFFF;
	s2 =	simm.s32 @!p0 $0x1C03  }
0x2c9: {  	[timem:s3], [sflag:s2] =	dma.local @!p0 [hbm:s0], s1  }
0x2ca: {  	s0 =	simm.s32 @!p0 $0x3  }
0x2cb: {  	_ =	swait.ge @!p0 [sflag:s0], s1  }
0x2cc: {  	s1 =	ssub.s32 @!p0 $0x0, s1;
	[sflag:s0] =	ssyncset.done @!p0 $0x0  }
0x2cd: {  	[sflag:s0] =	ssyncadd.s32 @!p0 s1  }
0x2ce: {  	[bflag:$0x3] =	sbarrier.arrive $0xFFFF  }
0x2cf: {  	_ =	shalt  }

</sc_bundles>
